<compile_context>
chip_gen: v7x
topology: tpu7x:2x2x1
jax: 0.10.2.dev20260603
libtpu: 0.0.44.dev20260713+nightly
codegen_flags: <defaults>
</compile_context>

<pallas_src>
import functools

import jax
import jax.numpy as jnp
from jax import lax
from jax.experimental import pallas as pl
from jax.experimental.pallas import tpu as pltpu
from jax.experimental.pallas import tpu_sc as plsc

_NUM_CORES = 2
_NUM_SUBCORES = 16
_NW = _NUM_CORES * _NUM_SUBCORES
_LANES = 16
_NBINS = 128
_ROWSTRIDE = 129
_HISTWORDS = _LANES * _ROWSTRIDE + _LANES


def _sc_hist_body(main_vecs, rem_vecs, halt_hbm, resp_hbm,
                  out_halt_hbm, out_resp_hbm,
                  halt_v, resp_v, tail_h, tail_r,
                  hist_halt, hist_resp, out_h, out_r, sem_h, sem_r):
    c = lax.axis_index("c")
    s = lax.axis_index("s")
    wid = s * _NUM_CORES + c
    chunk = main_vecs * _LANES
    base = wid * chunk

    cp_h = pltpu.async_copy(halt_hbm.at[pl.ds(base, chunk)], halt_v, sem_h)
    cp_r = pltpu.async_copy(resp_hbm.at[pl.ds(base, chunk)], resp_v, sem_r)

    lane_base = lax.iota(jnp.int32, _LANES) * _ROWSTRIDE
    ones = jnp.full((_LANES,), 1.0, jnp.float32)
    zeros = jnp.zeros((_LANES,), jnp.float32)

    def zbody(i, carry):
        hist_halt[pl.ds(i * _LANES, _LANES)] = zeros
        hist_resp[pl.ds(i * _LANES, _LANES)] = zeros
        return carry

    lax.fori_loop(0, _HISTWORDS // _LANES, zbody, 0, unroll=2)

    cp_h.wait()
    cp_r.wait()

    def body(i, carry):
        v = halt_v[pl.ds(i * _LANES, _LANES)]
        plsc.addupdate_scatter(hist_halt, [lane_base + v], ones)
        w = resp_v[pl.ds(i * _LANES, _LANES)]
        plsc.addupdate_scatter(hist_resp, [lane_base + w], ones)
        return carry

    lax.fori_loop(0, main_vecs, body, 0, unroll=4)

    if rem_vecs:
        @pl.when(wid < rem_vecs)
        def _():
            tail_base = _NW * chunk + wid * _LANES
            pltpu.sync_copy(halt_hbm.at[pl.ds(tail_base, _LANES)], tail_h)
            pltpu.sync_copy(resp_hbm.at[pl.ds(tail_base, _LANES)], tail_r)
            plsc.addupdate_scatter(hist_halt, [lane_base + tail_h[...]], ones)
            plsc.addupdate_scatter(hist_resp, [lane_base + tail_r[...]], ones)

    def fold_body(cc, carry):
        def racc(r, accs):
            ah, ar = accs
            off = r * _ROWSTRIDE + cc * _LANES
            ah = ah + hist_halt[pl.ds(off, _LANES)]
            ar = ar + hist_resp[pl.ds(off, _LANES)]
            return (ah, ar)

        ah, ar = lax.fori_loop(0, _LANES, racc, (zeros, zeros), unroll=8)
        out_h[pl.ds(cc * _LANES, _LANES)] = ah
        out_r[pl.ds(cc * _LANES, _LANES)] = ar
        return carry

    lax.fori_loop(0, _NBINS // _LANES, fold_body, 0)

    pltpu.sync_copy(out_h, out_halt_hbm.at[wid])
    pltpu.sync_copy(out_r, out_resp_hbm.at[wid])


def _kl_body(steps, halt_parts_ref, resp_parts_ref, out_ref):
    pred = jnp.sum(halt_parts_ref[...], axis=0, keepdims=True)
    true_ = jnp.sum(resp_parts_ref[...], axis=0, keepdims=True)
    col = lax.broadcasted_iota(jnp.int32, (1, _NBINS), 1)
    m = jnp.logical_and(col >= 1, col <= steps)
    pred = jnp.where(m, pred, 0.0)
    true_ = jnp.where(m, true_, 0.0)
    pred = pred / jnp.maximum(jnp.sum(pred), 1e-12)
    true_ = true_ / jnp.maximum(jnp.sum(true_), 1e-12)
    safe = jnp.where(true_ > 0, true_, 1.0)
    tlogt = jnp.where(true_ > 0, true_ * jnp.log(safe), 0.0)
    kl = jnp.sum(tlogt - true_ * pred, keepdims=True).reshape(1, 1)
    out_ref[...] = kl / jnp.float32(steps)


def kernel(p_halts, halt_steps, trial_types, response_steps):
    steps = p_halts.shape[1]
    n = halt_steps.shape[0]

    nvec = n // _LANES
    leftover = n - nvec * _LANES
    if leftover:
        pad = _LANES - leftover
        zpad = jnp.zeros((pad,), halt_steps.dtype)
        halt_steps = jnp.concatenate([halt_steps, zpad])
        response_steps = jnp.concatenate([response_steps, zpad])
        nvec += 1
    main_vecs = nvec // _NW
    rem_vecs = nvec - main_vecs * _NW
    chunk = main_vecs * _LANES

    mesh = plsc.VectorSubcoreMesh(
        core_axis_name="c", subcore_axis_name="s",
        num_cores=_NUM_CORES, num_subcores=_NUM_SUBCORES)

    hist_call = pl.kernel(
        functools.partial(_sc_hist_body, main_vecs, rem_vecs),
        out_type=(jax.ShapeDtypeStruct((_NW, _NBINS), jnp.float32),
                  jax.ShapeDtypeStruct((_NW, _NBINS), jnp.float32)),
        mesh=mesh,
        scratch_types=[
            pltpu.VMEM((chunk,), jnp.int32),
            pltpu.VMEM((chunk,), jnp.int32),
            pltpu.VMEM((_LANES,), jnp.int32),
            pltpu.VMEM((_LANES,), jnp.int32),
            pltpu.VMEM((_HISTWORDS,), jnp.float32),
            pltpu.VMEM((_HISTWORDS,), jnp.float32),
            pltpu.VMEM((_NBINS,), jnp.float32),
            pltpu.VMEM((_NBINS,), jnp.float32),
            pltpu.SemaphoreType.DMA,
            pltpu.SemaphoreType.DMA,
        ],
        compiler_params=pltpu.CompilerParams(needs_layout_passes=False),
    )
    halt_parts, resp_parts = hist_call(halt_steps, response_steps)

    loss2d = pl.pallas_call(
        functools.partial(_kl_body, steps),
        out_shape=jax.ShapeDtypeStruct((1, 1), jnp.float32),
    )(halt_parts, resp_parts)
    return loss2d[0, 0]

# --- scband reference (transcript-rebuilt; emitter-appended) ---
"""Pipeline reference for scband-regularization-loss-7919919694435 (READ-ONLY COPY).

The authoritative reference and input builder live on the scoring server;
editing this copy changes nothing except your own understanding.
"""

import jax, jax.numpy as jnp
import numpy as np
from jax.scipy.special import xlogy

MAX_STEPS = 100
LAMBDA_P = 0.1


def setup_inputs(seed: int = 0) -> dict:
    key = jax.random.key(seed)
    k1, k2, k3, k4 = jax.random.split(key, 4)
    N = 100000
    p_halts = jax.random.uniform(k1, (N, MAX_STEPS), dtype=jnp.float32)
    halt_steps = jax.random.randint(k2, (N,), 0, 101, dtype=jnp.int32)
    trial_types = jax.random.randint(k3, (N,), 0, 2, dtype=jnp.int32)
    response_steps = jax.random.randint(k4, (N,), 0, 101, dtype=jnp.int32)
    return {
        "p_halts": p_halts,
        "halt_steps": halt_steps,
        "trial_types": trial_types,
        "response_steps": response_steps,
    }


def _hist(values):
    # torch.unique + return_counts + scatter-add into [max_steps+1] bins == bincount
    return jnp.bincount(values.reshape(-1), length=MAX_STEPS + 1).astype(jnp.float32)


def _l1_normalize(x):
    # F.normalize(x, p=1, dim=0) with eps=1e-12
    return x / jnp.maximum(jnp.sum(jnp.abs(x)), 1e-12)


def _compute_rt_loss(rt_true, rt_pred, steps):
    p_rt_true = _hist(rt_true)[1:steps + 1]
    p_rt_pred = _hist(rt_pred)[1:steps + 1]
    p_rt_true = _l1_normalize(p_rt_true)
    p_rt_pred = _l1_normalize(p_rt_pred)
    # nn.KLDivLoss(reduction='batchmean')(input=p_rt_pred, target=p_rt_true)
    # pointwise: target * (log(target) - input), with 0*log(0)=0; divided by input.shape[0]
    kl = jnp.sum(xlogy(p_rt_true, p_rt_true) - p_rt_true * p_rt_pred) / p_rt_pred.shape[0]
    return kl


def reference(p_halts, halt_steps, trial_types, response_steps):
    # by_trial_type=False path
    steps = p_halts.shape[1]
    loss = _compute_rt_loss(response_steps, halt_steps, steps)
    return loss

if __name__ == "__main__":
    import jax
    _d = setup_inputs()
    print(jax.jit(kernel)(*tuple(_d.values())))

</pallas_src>

<mosaic_0001>
#map = affine_map<(d0, d1) -> (0)>
#map1 = affine_map<(d0, d1) -> (0, 0)>
module attributes {stable_mosaic.version = 14 : i64} {
  func.func @_sc_hist_body(%arg0: i32, %arg1: i32, %arg2: memref<100000xi32, #tpu.memory_space<hbm>>, %arg3: memref<100000xi32, #tpu.memory_space<hbm>>, %arg4: memref<32x128xf32, #tpu.memory_space<hbm>>, %arg5: memref<32x128xf32, #tpu.memory_space<hbm>>, %arg6: memref<3120xi32, #tpu.memory_space<vmem>>, %arg7: memref<3120xi32, #tpu.memory_space<vmem>>, %arg8: memref<16xi32, #tpu.memory_space<vmem>>, %arg9: memref<16xi32, #tpu.memory_space<vmem>>, %arg10: memref<2080xf32, #tpu.memory_space<vmem>>, %arg11: memref<2080xf32, #tpu.memory_space<vmem>>, %arg12: memref<128xf32, #tpu.memory_space<vmem>>, %arg13: memref<128xf32, #tpu.memory_space<vmem>>, %arg14: memref<!tpu.dma_semaphore, #tpu.memory_space<semaphore_mem>>, %arg15: memref<!tpu.dma_semaphore, #tpu.memory_space<semaphore_mem>>) attributes {dimension_semantics = [#tpu.dimension_semantics<core_parallel>, #tpu.dimension_semantics<subcore_parallel>], iteration_bounds = array<i64: 2, 16>, scalar_prefetch = 0 : i64, scratch_operands = 10 : i64, tpu.core_type = #tpu.core_type<sc_vector_subcore>, window_params = [{transform_indices = #map}, {transform_indices = #map}, {transform_indices = #map1}, {transform_indices = #map1}]} {
    %mul3A = arith.constant 2 : i32
    %mul3A_0 = arith.muli %arg1, %mul3A : i32
    %add3A = arith.addi %mul3A_0, %arg0 : i32
    %mul3A_1 = arith.constant 3120 : i32
    %mul3A_2 = arith.muli %add3A, %mul3A_1 : i32
    %dma_start3A = tpu.memref_slice %arg2[%mul3A_2] : memref<100000xi32, #tpu.memory_space<hbm>> -> memref<3120xi32, #tpu.memory_space<hbm>>
    %dma_start3A_3 = tpu.memref_slice %arg2[%mul3A_2] : memref<100000xi32, #tpu.memory_space<hbm>> -> memref<3120xi32, #tpu.memory_space<hbm>>
    tpu.enqueue_dma source(%dma_start3A_3 : memref<3120xi32, #tpu.memory_space<hbm>>) target(%arg6 : memref<3120xi32, #tpu.memory_space<vmem>>) target_semaphore(%arg14 : memref<!tpu.dma_semaphore, #tpu.memory_space<semaphore_mem>>)
    %dma_start3A_4 = tpu.memref_slice %arg3[%mul3A_2] : memref<100000xi32, #tpu.memory_space<hbm>> -> memref<3120xi32, #tpu.memory_space<hbm>>
    %dma_start3A_5 = tpu.memref_slice %arg3[%mul3A_2] : memref<100000xi32, #tpu.memory_space<hbm>> -> memref<3120xi32, #tpu.memory_space<hbm>>
    tpu.enqueue_dma source(%dma_start3A_5 : memref<3120xi32, #tpu.memory_space<hbm>>) target(%arg7 : memref<3120xi32, #tpu.memory_space<vmem>>) target_semaphore(%arg15 : memref<!tpu.dma_semaphore, #tpu.memory_space<semaphore_mem>>)
    %iota3A = tpu.iota {dimensions = array<i32: 0>} : vector<16xi32>
    %mul3A_6 = arith.constant 129 : i32
    %mul3A_7 = vector.broadcast %mul3A_6 : i32 to vector<16xi32>
    %mul3A_8 = arith.muli %iota3A, %mul3A_7 : vector<16xi32>
    %broadcast_in_dim3A = arith.constant 1.000000e+00 : f32
    %broadcast_in_dim3A_9 = vector.broadcast %broadcast_in_dim3A : f32 to vector<16xf32>
    %broadcast_in_dim3A_10 = arith.constant 0.000000e+00 : f32
    %broadcast_in_dim3A_11 = vector.broadcast %broadcast_in_dim3A_10 : f32 to vector<16xf32>
    %scan3A = arith.constant 0 : i32
    %scan3A_12 = arith.constant 0 : i32
    %scan3A_13 = arith.constant 130 : i32
    %scan3A_14 = arith.addi %scan3A_12, %scan3A_13 : i32
    %scan3A_15 = arith.constant 2 : i32
    scf.for %scan3A_69 = %scan3A_12 to %scan3A_14 step %scan3A_15  : i32 {
      %mul3A_70 = arith.constant 16 : i32
      %mul3A_71 = arith.muli %scan3A_69, %mul3A_70 : i32
      %swap3A = arith.index_cast %mul3A_71 : i32 to index
      %swap3A_72 = tpu.vector_load %arg10[%swap3A] {strides = array<i32>} : memref<2080xf32, #tpu.memory_space<vmem>>, vector<16xf32>,
      tpu.vector_store %arg10[%swap3A], %broadcast_in_dim3A_11 {strides = array<i32>} : memref<2080xf32, #tpu.memory_space<vmem>>, vector<16xf32>,
      %mul3A_73 = arith.constant 16 : i32
      %mul3A_74 = arith.muli %scan3A_69, %mul3A_73 : i32
      %swap3A_75 = arith.index_cast %mul3A_74 : i32 to index
      %swap3A_76 = tpu.vector_load %arg11[%swap3A_75] {strides = array<i32>} : memref<2080xf32, #tpu.memory_space<vmem>>, vector<16xf32>,
      tpu.vector_store %arg11[%swap3A_75], %broadcast_in_dim3A_11 {strides = array<i32>} : memref<2080xf32, #tpu.memory_space<vmem>>, vector<16xf32>,
      %scan3A_77 = arith.constant 1 : i32
      %scan3A_78 = arith.addi %scan3A_69, %scan3A_77 : i32
      %mul3A_79 = arith.constant 16 : i32
      %mul3A_80 = arith.muli %scan3A_78, %mul3A_79 : i32
      %swap3A_81 = arith.index_cast %mul3A_80 : i32 to index
      %swap3A_82 = tpu.vector_load %arg10[%swap3A_81] {strides = array<i32>} : memref<2080xf32, #tpu.memory_space<vmem>>, vector<16xf32>,
      tpu.vector_store %arg10[%swap3A_81], %broadcast_in_dim3A_11 {strides = array<i32>} : memref<2080xf32, #tpu.memory_space<vmem>>, vector<16xf32>,
      %mul3A_83 = arith.constant 16 : i32
      %mul3A_84 = arith.muli %scan3A_78, %mul3A_83 : i32
      %swap3A_85 = arith.index_cast %mul3A_84 : i32 to index
      %swap3A_86 = tpu.vector_load %arg11[%swap3A_85] {strides = array<i32>} : memref<2080xf32, #tpu.memory_space<vmem>>, vector<16xf32>,
      tpu.vector_store %arg11[%swap3A_85], %broadcast_in_dim3A_11 {strides = array<i32>} : memref<2080xf32, #tpu.memory_space<vmem>>, vector<16xf32>,
    }
    %scan3A_16 = arith.constant 130 : i32
    %dma_wait3A = tpu.memref_slice %arg2[%mul3A_2] : memref<100000xi32, #tpu.memory_space<hbm>> -> memref<3120xi32, #tpu.memory_space<hbm>>
    %dma_wait3A_17 = tpu.memref_slice %arg2[%mul3A_2] : memref<100000xi32, #tpu.memory_space<hbm>> -> memref<3120xi32, #tpu.memory_space<hbm>>
    tpu.wait_dma2 semaphore(%arg14 : memref<!tpu.dma_semaphore, #tpu.memory_space<semaphore_mem>>) src(%dma_wait3A_17 : memref<3120xi32, #tpu.memory_space<hbm>>) dst(%arg6 : memref<3120xi32, #tpu.memory_space<vmem>>)
    %dma_wait3A_18 = tpu.memref_slice %arg3[%mul3A_2] : memref<100000xi32, #tpu.memory_space<hbm>> -> memref<3120xi32, #tpu.memory_space<hbm>>
    %dma_wait3A_19 = tpu.memref_slice %arg3[%mul3A_2] : memref<100000xi32, #tpu.memory_space<hbm>> -> memref<3120xi32, #tpu.memory_space<hbm>>
    tpu.wait_dma2 semaphore(%arg15 : memref<!tpu.dma_semaphore, #tpu.memory_space<semaphore_mem>>) src(%dma_wait3A_19 : memref<3120xi32, #tpu.memory_space<hbm>>) dst(%arg7 : memref<3120xi32, #tpu.memory_space<vmem>>)
    %scan3A_20 = arith.constant 0 : i32
    %scan3A_21 = arith.constant 0 : i32
    %scan3A_22 = arith.constant 192 : i32
    %scan3A_23 = arith.addi %scan3A_21, %scan3A_22 : i32
    %scan3A_24 = arith.constant 4 : i32
    scf.for %scan3A_69 = %scan3A_21 to %scan3A_23 step %scan3A_24  : i32 {
      %mul3A_70 = arith.constant 16 : i32
      %mul3A_71 = arith.muli %scan3A_69, %mul3A_70 : i32
      %get3A_72 = arith.index_cast %mul3A_71 : i32 to index
      %get3A_73 = tpu.vector_load %arg6[%get3A_72] {strides = array<i32>} : memref<3120xi32, #tpu.memory_space<vmem>>, vector<16xi32>,
      %add3A_74 = arith.addi %mul3A_8, %get3A_73 : vector<16xi32>
      tpu.vector_store_idx %arg10[%add3A_74], %broadcast_in_dim3A_9 {add = true} : memref<2080xf32, #tpu.memory_space<vmem>>[vector<16xi32>], vector<16xf32>,
      %mul3A_75 = arith.constant 16 : i32
      %mul3A_76 = arith.muli %scan3A_69, %mul3A_75 : i32
      %get3A_77 = arith.index_cast %mul3A_76 : i32 to index
      %get3A_78 = tpu.vector_load %arg7[%get3A_77] {strides = array<i32>} : memref<3120xi32, #tpu.memory_space<vmem>>, vector<16xi32>,
      %add3A_79 = arith.addi %mul3A_8, %get3A_78 : vector<16xi32>
      tpu.vector_store_idx %arg11[%add3A_79], %broadcast_in_dim3A_9 {add = true} : memref<2080xf32, #tpu.memory_space<vmem>>[vector<16xi32>], vector<16xf32>,
      %scan3A_80 = arith.constant 1 : i32
      %scan3A_81 = arith.addi %scan3A_69, %scan3A_80 : i32
      %mul3A_82 = arith.constant 16 : i32
      %mul3A_83 = arith.muli %scan3A_81, %mul3A_82 : i32
      %get3A_84 = arith.index_cast %mul3A_83 : i32 to index
      %get3A_85 = tpu.vector_load %arg6[%get3A_84] {strides = array<i32>} : memref<3120xi32, #tpu.memory_space<vmem>>, vector<16xi32>,
      %add3A_86 = arith.addi %mul3A_8, %get3A_85 : vector<16xi32>
      tpu.vector_store_idx %arg10[%add3A_86], %broadcast_in_dim3A_9 {add = true} : memref<2080xf32, #tpu.memory_space<vmem>>[vector<16xi32>], vector<16xf32>,
      %mul3A_87 = arith.constant 16 : i32
      %mul3A_88 = arith.muli %scan3A_81, %mul3A_87 : i32
      %get3A_89 = arith.index_cast %mul3A_88 : i32 to index
      %get3A_90 = tpu.vector_load %arg7[%get3A_89] {strides = array<i32>} : memref<3120xi32, #tpu.memory_space<vmem>>, vector<16xi32>,
      %add3A_91 = arith.addi %mul3A_8, %get3A_90 : vector<16xi32>
      tpu.vector_store_idx %arg11[%add3A_91], %broadcast_in_dim3A_9 {add = true} : memref<2080xf32, #tpu.memory_space<vmem>>[vector<16xi32>], vector<16xf32>,
      %scan3A_92 = arith.constant 2 : i32
      %scan3A_93 = arith.addi %scan3A_69, %scan3A_92 : i32
      %mul3A_94 = arith.constant 16 : i32
      %mul3A_95 = arith.muli %scan3A_93, %mul3A_94 : i32
      %get3A_96 = arith.index_cast %mul3A_95 : i32 to index
      %get3A_97 = tpu.vector_load %arg6[%get3A_96] {strides = array<i32>} : memref<3120xi32, #tpu.memory_space<vmem>>, vector<16xi32>,
      %add3A_98 = arith.addi %mul3A_8, %get3A_97 : vector<16xi32>
      tpu.vector_store_idx %arg10[%add3A_98], %broadcast_in_dim3A_9 {add = true} : memref<2080xf32, #tpu.memory_space<vmem>>[vector<16xi32>], vector<16xf32>,
      %mul3A_99 = arith.constant 16 : i32
      %mul3A_100 = arith.muli %scan3A_93, %mul3A_99 : i32
      %get3A_101 = arith.index_cast %mul3A_100 : i32 to index
      %get3A_102 = tpu.vector_load %arg7[%get3A_101] {strides = array<i32>} : memref<3120xi32, #tpu.memory_space<vmem>>, vector<16xi32>,
      %add3A_103 = arith.addi %mul3A_8, %get3A_102 : vector<16xi32>
      tpu.vector_store_idx %arg11[%add3A_103], %broadcast_in_dim3A_9 {add = true} : memref<2080xf32, #tpu.memory_space<vmem>>[vector<16xi32>], vector<16xf32>,
      %scan3A_104 = arith.constant 3 : i32
      %scan3A_105 = arith.addi %scan3A_69, %scan3A_104 : i32
      %mul3A_106 = arith.constant 16 : i32
      %mul3A_107 = arith.muli %scan3A_105, %mul3A_106 : i32
      %get3A_108 = arith.index_cast %mul3A_107 : i32 to index
      %get3A_109 = tpu.vector_load %arg6[%get3A_108] {strides = array<i32>} : memref<3120xi32, #tpu.memory_space<vmem>>, vector<16xi32>,
      %add3A_110 = arith.addi %mul3A_8, %get3A_109 : vector<16xi32>
      tpu.vector_store_idx %arg10[%add3A_110], %broadcast_in_dim3A_9 {add = true} : memref<2080xf32, #tpu.memory_space<vmem>>[vector<16xi32>], vector<16xf32>,
      %mul3A_111 = arith.constant 16 : i32
      %mul3A_112 = arith.muli %scan3A_105, %mul3A_111 : i32
      %get3A_113 = arith.index_cast %mul3A_112 : i32 to index
      %get3A_114 = tpu.vector_load %arg7[%get3A_113] {strides = array<i32>} : memref<3120xi32, #tpu.memory_space<vmem>>, vector<16xi32>,
      %add3A_115 = arith.addi %mul3A_8, %get3A_114 : vector<16xi32>
      tpu.vector_store_idx %arg11[%add3A_115], %broadcast_in_dim3A_9 {add = true} : memref<2080xf32, #tpu.memory_space<vmem>>[vector<16xi32>], vector<16xf32>,
    }
    %scan3A_25 = arith.constant 192 : i32
    %scan3A_26 = arith.addi %scan3A_21, %scan3A_25 : i32
    %mul3A_27 = arith.constant 16 : i32
    %mul3A_28 = arith.muli %scan3A_26, %mul3A_27 : i32
    %get3A = arith.index_cast %mul3A_28 : i32 to index
    %get3A_29 = tpu.vector_load %arg6[%get3A] {strides = array<i32>} : memref<3120xi32, #tpu.memory_space<vmem>>, vector<16xi32>,
    %add3A_30 = arith.addi %mul3A_8, %get3A_29 : vector<16xi32>
    tpu.vector_store_idx %arg10[%add3A_30], %broadcast_in_dim3A_9 {add = true} : memref<2080xf32, #tpu.memory_space<vmem>>[vector<16xi32>], vector<16xf32>,
    %mul3A_31 = arith.constant 16 : i32
    %mul3A_32 = arith.muli %scan3A_26, %mul3A_31 : i32
    %get3A_33 = arith.index_cast %mul3A_32 : i32 to index
    %get3A_34 = tpu.vector_load %arg7[%get3A_33] {strides = array<i32>} : memref<3120xi32, #tpu.memory_space<vmem>>, vector<16xi32>,
    %add3A_35 = arith.addi %mul3A_8, %get3A_34 : vector<16xi32>
    tpu.vector_store_idx %arg11[%add3A_35], %broadcast_in_dim3A_9 {add = true} : memref<2080xf32, #tpu.memory_space<vmem>>[vector<16xi32>], vector<16xf32>,
    %scan3A_36 = arith.constant 193 : i32
    %scan3A_37 = arith.addi %scan3A_21, %scan3A_36 : i32
    %mul3A_38 = arith.constant 16 : i32
    %mul3A_39 = arith.muli %scan3A_37, %mul3A_38 : i32
    %get3A_40 = arith.index_cast %mul3A_39 : i32 to index
    %get3A_41 = tpu.vector_load %arg6[%get3A_40] {strides = array<i32>} : memref<3120xi32, #tpu.memory_space<vmem>>, vector<16xi32>,
    %add3A_42 = arith.addi %mul3A_8, %get3A_41 : vector<16xi32>
    tpu.vector_store_idx %arg10[%add3A_42], %broadcast_in_dim3A_9 {add = true} : memref<2080xf32, #tpu.memory_space<vmem>>[vector<16xi32>], vector<16xf32>,
    %mul3A_43 = arith.constant 16 : i32
    %mul3A_44 = arith.muli %scan3A_37, %mul3A_43 : i32
    %get3A_45 = arith.index_cast %mul3A_44 : i32 to index
    %get3A_46 = tpu.vector_load %arg7[%get3A_45] {strides = array<i32>} : memref<3120xi32, #tpu.memory_space<vmem>>, vector<16xi32>,
    %add3A_47 = arith.addi %mul3A_8, %get3A_46 : vector<16xi32>
    tpu.vector_store_idx %arg11[%add3A_47], %broadcast_in_dim3A_9 {add = true} : memref<2080xf32, #tpu.memory_space<vmem>>[vector<16xi32>], vector<16xf32>,
    %scan3A_48 = arith.constant 194 : i32
    %scan3A_49 = arith.addi %scan3A_21, %scan3A_48 : i32
    %mul3A_50 = arith.constant 16 : i32
    %mul3A_51 = arith.muli %scan3A_49, %mul3A_50 : i32
    %get3A_52 = arith.index_cast %mul3A_51 : i32 to index
    %get3A_53 = tpu.vector_load %arg6[%get3A_52] {strides = array<i32>} : memref<3120xi32, #tpu.memory_space<vmem>>, vector<16xi32>,
    %add3A_54 = arith.addi %mul3A_8, %get3A_53 : vector<16xi32>
    tpu.vector_store_idx %arg10[%add3A_54], %broadcast_in_dim3A_9 {add = true} : memref<2080xf32, #tpu.memory_space<vmem>>[vector<16xi32>], vector<16xf32>,
    %mul3A_55 = arith.constant 16 : i32
    %mul3A_56 = arith.muli %scan3A_49, %mul3A_55 : i32
    %get3A_57 = arith.index_cast %mul3A_56 : i32 to index
    %get3A_58 = tpu.vector_load %arg7[%get3A_57] {strides = array<i32>} : memref<3120xi32, #tpu.memory_space<vmem>>, vector<16xi32>,
    %add3A_59 = arith.addi %mul3A_8, %get3A_58 : vector<16xi32>
    tpu.vector_store_idx %arg11[%add3A_59], %broadcast_in_dim3A_9 {add = true} : memref<2080xf32, #tpu.memory_space<vmem>>[vector<16xi32>], vector<16xf32>,
    %scan3A_60 = arith.constant 195 : i32
    %lt3A = arith.constant 10 : i32
    %lt3A_61 = arith.cmpi slt, %add3A, %lt3A : i32
    %convert_element_type3A = arith.extui %lt3A_61 : i1 to i32
    %cond3A = arith.constant 0 : i32
    %cond3A_62 = arith.cmpi ne, %convert_element_type3A, %cond3A : i32
    scf.if %cond3A_62 {
      %mul3A_69 = arith.constant 16 : i32
      %mul3A_70 = arith.muli %add3A, %mul3A_69 : i32
      %add3A_71 = arith.constant 99840 : i32
      %add3A_72 = arith.addi %add3A_71, %mul3A_70 : i32
      "tpu.region"() ({
        %run_scoped3A = tpu.sem_alloc : memref<!tpu.dma_semaphore, #tpu.memory_space<semaphore_mem>>
        %dma_start3A_79 = tpu.memref_slice %arg2[%add3A_72] : memref<100000xi32, #tpu.memory_space<hbm>> -> memref<16xi32, #tpu.memory_space<hbm>>
        %dma_start3A_80 = tpu.memref_slice %arg2[%add3A_72] : memref<100000xi32, #tpu.memory_space<hbm>> -> memref<16xi32, #tpu.memory_space<hbm>>
        tpu.enqueue_dma source(%dma_start3A_80 : memref<16xi32, #tpu.memory_space<hbm>>) target(%arg8 : memref<16xi32, #tpu.memory_space<vmem>>) target_semaphore(%run_scoped3A : memref<!tpu.dma_semaphore, #tpu.memory_space<semaphore_mem>>)
        %dma_wait3A_81 = tpu.memref_slice %arg2[%add3A_72] : memref<100000xi32, #tpu.memory_space<hbm>> -> memref<16xi32, #tpu.memory_space<hbm>>
        %dma_wait3A_82 = tpu.memref_slice %arg2[%add3A_72] : memref<100000xi32, #tpu.memory_space<hbm>> -> memref<16xi32, #tpu.memory_space<hbm>>
        tpu.wait_dma2 semaphore(%run_scoped3A : memref<!tpu.dma_semaphore, #tpu.memory_space<semaphore_mem>>) src(%dma_wait3A_82 : memref<16xi32, #tpu.memory_space<hbm>>) dst(%arg8 : memref<16xi32, #tpu.memory_space<vmem>>)
        tpu.yield
      }) : () -> ()
      "tpu.region"() ({
        %run_scoped3A = tpu.sem_alloc : memref<!tpu.dma_semaphore, #tpu.memory_space<semaphore_mem>>
        %dma_start3A_79 = tpu.memref_slice %arg3[%add3A_72] : memref<100000xi32, #tpu.memory_space<hbm>> -> memref<16xi32, #tpu.memory_space<hbm>>
        %dma_start3A_80 = tpu.memref_slice %arg3[%add3A_72] : memref<100000xi32, #tpu.memory_space<hbm>> -> memref<16xi32, #tpu.memory_space<hbm>>
        tpu.enqueue_dma source(%dma_start3A_80 : memref<16xi32, #tpu.memory_space<hbm>>) target(%arg9 : memref<16xi32, #tpu.memory_space<vmem>>) target_semaphore(%run_scoped3A : memref<!tpu.dma_semaphore, #tpu.memory_space<semaphore_mem>>)
        %dma_wait3A_81 = tpu.memref_slice %arg3[%add3A_72] : memref<100000xi32, #tpu.memory_space<hbm>> -> memref<16xi32, #tpu.memory_space<hbm>>
        %dma_wait3A_82 = tpu.memref_slice %arg3[%add3A_72] : memref<100000xi32, #tpu.memory_space<hbm>> -> memref<16xi32, #tpu.memory_space<hbm>>
        tpu.wait_dma2 semaphore(%run_scoped3A : memref<!tpu.dma_semaphore, #tpu.memory_space<semaphore_mem>>) src(%dma_wait3A_82 : memref<16xi32, #tpu.memory_space<hbm>>) dst(%arg9 : memref<16xi32, #tpu.memory_space<vmem>>)
        tpu.yield
      }) : () -> ()
      %get3A_73 = arith.constant 0 : index
      %get3A_74 = tpu.vector_load %arg8[%get3A_73] {strides = array<i32>} : memref<16xi32, #tpu.memory_space<vmem>>, vector<16xi32>,
      %add3A_75 = arith.addi %mul3A_8, %get3A_74 : vector<16xi32>
      tpu.vector_store_idx %arg10[%add3A_75], %broadcast_in_dim3A_9 {add = true} : memref<2080xf32, #tpu.memory_space<vmem>>[vector<16xi32>], vector<16xf32>,
      %get3A_76 = arith.constant 0 : index
      %get3A_77 = tpu.vector_load %arg9[%get3A_76] {strides = array<i32>} : memref<16xi32, #tpu.memory_space<vmem>>, vector<16xi32>,
      %add3A_78 = arith.addi %mul3A_8, %get3A_77 : vector<16xi32>
      tpu.vector_store_idx %arg11[%add3A_78], %broadcast_in_dim3A_9 {add = true} : memref<2080xf32, #tpu.memory_space<vmem>>[vector<16xi32>], vector<16xf32>,
    } else {
    }
    %scan3A_63 = arith.constant 0 : i32
    %scan3A_64 = arith.constant 0 : i32
    %scan3A_65 = arith.constant 8 : i32
    %scan3A_66 = arith.addi %scan3A_64, %scan3A_65 : i32
    %scan3A_67 = arith.constant 1 : i32
    scf.for %scan3A_69 = %scan3A_64 to %scan3A_66 step %scan3A_67  : i32 {
      %scan3A_70 = arith.constant 0 : i32
      %scan3A_71 = arith.constant 16 : i32
      %scan3A_72 = arith.addi %scan3A_70, %scan3A_71 : i32
      %scan3A_73 = arith.constant 8 : i32
      %scan3A_74:2 = scf.for %scan3A_83 = %scan3A_70 to %scan3A_72 step %scan3A_73 iter_args(%scan3A_84 = %broadcast_in_dim3A_11, %scan3A_85 = %broadcast_in_dim3A_11) -> (vector<16xf32>, vector<16xf32>)  : i32 {
        %mul3A_86 = arith.constant 129 : i32
        %mul3A_87 = arith.muli %scan3A_83, %mul3A_86 : i32
        %mul3A_88 = arith.constant 16 : i32
        %mul3A_89 = arith.muli %scan3A_69, %mul3A_88 : i32
        %add3A_90 = arith.addi %mul3A_87, %mul3A_89 : i32
        %get3A_91 = arith.index_cast %add3A_90 : i32 to index
        %get3A_92 = tpu.vector_load %arg10[%get3A_91] {strides = array<i32>} : memref<2080xf32, #tpu.memory_space<vmem>>, vector<16xf32>,
        %add3A_93 = arith.addf %scan3A_84, %get3A_92 : vector<16xf32>
        %get3A_94 = arith.index_cast %add3A_90 : i32 to index
        %get3A_95 = tpu.vector_load %arg11[%get3A_94] {strides = array<i32>} : memref<2080xf32, #tpu.memory_space<vmem>>, vector<16xf32>,
        %add3A_96 = arith.addf %scan3A_85, %get3A_95 : vector<16xf32>
        %scan3A_97 = arith.constant 1 : i32
        %scan3A_98 = arith.addi %scan3A_83, %scan3A_97 : i32
        %mul3A_99 = arith.constant 129 : i32
        %mul3A_100 = arith.muli %scan3A_98, %mul3A_99 : i32
        %mul3A_101 = arith.constant 16 : i32
        %mul3A_102 = arith.muli %scan3A_69, %mul3A_101 : i32
        %add3A_103 = arith.addi %mul3A_100, %mul3A_102 : i32
        %get3A_104 = arith.index_cast %add3A_103 : i32 to index
        %get3A_105 = tpu.vector_load %arg10[%get3A_104] {strides = array<i32>} : memref<2080xf32, #tpu.memory_space<vmem>>, vector<16xf32>,
        %add3A_106 = arith.addf %add3A_93, %get3A_105 : vector<16xf32>
        %get3A_107 = arith.index_cast %add3A_103 : i32 to index
        %get3A_108 = tpu.vector_load %arg11[%get3A_107] {strides = array<i32>} : memref<2080xf32, #tpu.memory_space<vmem>>, vector<16xf32>,
        %add3A_109 = arith.addf %add3A_96, %get3A_108 : vector<16xf32>
        %scan3A_110 = arith.constant 2 : i32
        %scan3A_111 = arith.addi %scan3A_83, %scan3A_110 : i32
        %mul3A_112 = arith.constant 129 : i32
        %mul3A_113 = arith.muli %scan3A_111, %mul3A_112 : i32
        %mul3A_114 = arith.constant 16 : i32
        %mul3A_115 = arith.muli %scan3A_69, %mul3A_114 : i32
        %add3A_116 = arith.addi %mul3A_113, %mul3A_115 : i32
        %get3A_117 = arith.index_cast %add3A_116 : i32 to index
        %get3A_118 = tpu.vector_load %arg10[%get3A_117] {strides = array<i32>} : memref<2080xf32, #tpu.memory_space<vmem>>, vector<16xf32>,
        %add3A_119 = arith.addf %add3A_106, %get3A_118 : vector<16xf32>
        %get3A_120 = arith.index_cast %add3A_116 : i32 to index
        %get3A_121 = tpu.vector_load %arg11[%get3A_120] {strides = array<i32>} : memref<2080xf32, #tpu.memory_space<vmem>>, vector<16xf32>,
        %add3A_122 = arith.addf %add3A_109, %get3A_121 : vector<16xf32>
        %scan3A_123 = arith.constant 3 : i32
        %scan3A_124 = arith.addi %scan3A_83, %scan3A_123 : i32
        %mul3A_125 = arith.constant 129 : i32
        %mul3A_126 = arith.muli %scan3A_124, %mul3A_125 : i32
        %mul3A_127 = arith.constant 16 : i32
        %mul3A_128 = arith.muli %scan3A_69, %mul3A_127 : i32
        %add3A_129 = arith.addi %mul3A_126, %mul3A_128 : i32
        %get3A_130 = arith.index_cast %add3A_129 : i32 to index
        %get3A_131 = tpu.vector_load %arg10[%get3A_130] {strides = array<i32>} : memref<2080xf32, #tpu.memory_space<vmem>>, vector<16xf32>,
        %add3A_132 = arith.addf %add3A_119, %get3A_131 : vector<16xf32>
        %get3A_133 = arith.index_cast %add3A_129 : i32 to index
        %get3A_134 = tpu.vector_load %arg11[%get3A_133] {strides = array<i32>} : memref<2080xf32, #tpu.memory_space<vmem>>, vector<16xf32>,
        %add3A_135 = arith.addf %add3A_122, %get3A_134 : vector<16xf32>
        %scan3A_136 = arith.constant 4 : i32
        %scan3A_137 = arith.addi %scan3A_83, %scan3A_136 : i32
        %mul3A_138 = arith.constant 129 : i32
        %mul3A_139 = arith.muli %scan3A_137, %mul3A_138 : i32
        %mul3A_140 = arith.constant 16 : i32
        %mul3A_141 = arith.muli %scan3A_69, %mul3A_140 : i32
        %add3A_142 = arith.addi %mul3A_139, %mul3A_141 : i32
        %get3A_143 = arith.index_cast %add3A_142 : i32 to index
        %get3A_144 = tpu.vector_load %arg10[%get3A_143] {strides = array<i32>} : memref<2080xf32, #tpu.memory_space<vmem>>, vector<16xf32>,
        %add3A_145 = arith.addf %add3A_132, %get3A_144 : vector<16xf32>
        %get3A_146 = arith.index_cast %add3A_142 : i32 to index
        %get3A_147 = tpu.vector_load %arg11[%get3A_146] {strides = array<i32>} : memref<2080xf32, #tpu.memory_space<vmem>>, vector<16xf32>,
        %add3A_148 = arith.addf %add3A_135, %get3A_147 : vector<16xf32>
        %scan3A_149 = arith.constant 5 : i32
        %scan3A_150 = arith.addi %scan3A_83, %scan3A_149 : i32
        %mul3A_151 = arith.constant 129 : i32
        %mul3A_152 = arith.muli %scan3A_150, %mul3A_151 : i32
        %mul3A_153 = arith.constant 16 : i32
        %mul3A_154 = arith.muli %scan3A_69, %mul3A_153 : i32
        %add3A_155 = arith.addi %mul3A_152, %mul3A_154 : i32
        %get3A_156 = arith.index_cast %add3A_155 : i32 to index
        %get3A_157 = tpu.vector_load %arg10[%get3A_156] {strides = array<i32>} : memref<2080xf32, #tpu.memory_space<vmem>>, vector<16xf32>,
        %add3A_158 = arith.addf %add3A_145, %get3A_157 : vector<16xf32>
        %get3A_159 = arith.index_cast %add3A_155 : i32 to index
        %get3A_160 = tpu.vector_load %arg11[%get3A_159] {strides = array<i32>} : memref<2080xf32, #tpu.memory_space<vmem>>, vector<16xf32>,
        %add3A_161 = arith.addf %add3A_148, %get3A_160 : vector<16xf32>
        %scan3A_162 = arith.constant 6 : i32
        %scan3A_163 = arith.addi %scan3A_83, %scan3A_162 : i32
        %mul3A_164 = arith.constant 129 : i32
        %mul3A_165 = arith.muli %scan3A_163, %mul3A_164 : i32
        %mul3A_166 = arith.constant 16 : i32
        %mul3A_167 = arith.muli %scan3A_69, %mul3A_166 : i32
        %add3A_168 = arith.addi %mul3A_165, %mul3A_167 : i32
        %get3A_169 = arith.index_cast %add3A_168 : i32 to index
        %get3A_170 = tpu.vector_load %arg10[%get3A_169] {strides = array<i32>} : memref<2080xf32, #tpu.memory_space<vmem>>, vector<16xf32>,
        %add3A_171 = arith.addf %add3A_158, %get3A_170 : vector<16xf32>
        %get3A_172 = arith.index_cast %add3A_168 : i32 to index
        %get3A_173 = tpu.vector_load %arg11[%get3A_172] {strides = array<i32>} : memref<2080xf32, #tpu.memory_space<vmem>>, vector<16xf32>,
        %add3A_174 = arith.addf %add3A_161, %get3A_173 : vector<16xf32>
        %scan3A_175 = arith.constant 7 : i32
        %scan3A_176 = arith.addi %scan3A_83, %scan3A_175 : i32
        %mul3A_177 = arith.constant 129 : i32
        %mul3A_178 = arith.muli %scan3A_176, %mul3A_177 : i32
        %mul3A_179 = arith.constant 16 : i32
        %mul3A_180 = arith.muli %scan3A_69, %mul3A_179 : i32
        %add3A_181 = arith.addi %mul3A_178, %mul3A_180 : i32
        %get3A_182 = arith.index_cast %add3A_181 : i32 to index
        %get3A_183 = tpu.vector_load %arg10[%get3A_182] {strides = array<i32>} : memref<2080xf32, #tpu.memory_space<vmem>>, vector<16xf32>,
        %add3A_184 = arith.addf %add3A_171, %get3A_183 : vector<16xf32>
        %get3A_185 = arith.index_cast %add3A_181 : i32 to index
        %get3A_186 = tpu.vector_load %arg11[%get3A_185] {strides = array<i32>} : memref<2080xf32, #tpu.memory_space<vmem>>, vector<16xf32>,
        %add3A_187 = arith.addf %add3A_174, %get3A_186 : vector<16xf32>
        scf.yield %add3A_184, %add3A_187 : vector<16xf32>, vector<16xf32>
      }
      %scan3A_75 = arith.constant 16 : i32
      %mul3A_76 = arith.constant 16 : i32
      %mul3A_77 = arith.muli %scan3A_69, %mul3A_76 : i32
      %swap3A = arith.index_cast %mul3A_77 : i32 to index
      %swap3A_78 = tpu.vector_load %arg12[%swap3A] {strides = array<i32>} : memref<128xf32, #tpu.memory_space<vmem>>, vector<16xf32>,
      tpu.vector_store %arg12[%swap3A], %scan3A_74#0 {strides = array<i32>} : memref<128xf32, #tpu.memory_space<vmem>>, vector<16xf32>,
      %mul3A_79 = arith.constant 16 : i32
      %mul3A_80 = arith.muli %scan3A_69, %mul3A_79 : i32
      %swap3A_81 = arith.index_cast %mul3A_80 : i32 to index
      %swap3A_82 = tpu.vector_load %arg13[%swap3A_81] {strides = array<i32>} : memref<128xf32, #tpu.memory_space<vmem>>, vector<16xf32>,
      tpu.vector_store %arg13[%swap3A_81], %scan3A_74#1 {strides = array<i32>} : memref<128xf32, #tpu.memory_space<vmem>>, vector<16xf32>,
    }
    %scan3A_68 = arith.constant 8 : i32
    "tpu.region"() ({
      %run_scoped3A = tpu.sem_alloc : memref<!tpu.dma_semaphore, #tpu.memory_space<semaphore_mem>>
      %dma_start3A_69 = arith.constant 0 : i32
      %dma_start3A_70 = tpu.memref_slice %arg4[%add3A, %dma_start3A_69] : memref<32x128xf32, #tpu.memory_space<hbm>> -> memref<1x128xf32, #tpu.memory_space<hbm>>
      %dma_start3A_71 = tpu.memref_squeeze %dma_start3A_70 : memref<1x128xf32, #tpu.memory_space<hbm>> -> memref<128xf32, #tpu.memory_space<hbm>>
      %dma_start3A_72 = arith.constant 0 : i32
      %dma_start3A_73 = tpu.memref_slice %arg4[%add3A, %dma_start3A_72] : memref<32x128xf32, #tpu.memory_space<hbm>> -> memref<1x128xf32, #tpu.memory_space<hbm>>
      %dma_start3A_74 = tpu.memref_squeeze %dma_start3A_73 : memref<1x128xf32, #tpu.memory_space<hbm>> -> memref<128xf32, #tpu.memory_space<hbm>>
      tpu.enqueue_dma source(%arg12 : memref<128xf32, #tpu.memory_space<vmem>>) target(%dma_start3A_74 : memref<128xf32, #tpu.memory_space<hbm>>) target_semaphore(%run_scoped3A : memref<!tpu.dma_semaphore, #tpu.memory_space<semaphore_mem>>)
      %dma_wait3A_75 = arith.constant 0 : i32
      %dma_wait3A_76 = tpu.memref_slice %arg4[%add3A, %dma_wait3A_75] : memref<32x128xf32, #tpu.memory_space<hbm>> -> memref<1x128xf32, #tpu.memory_space<hbm>>
      %dma_wait3A_77 = tpu.memref_squeeze %dma_wait3A_76 : memref<1x128xf32, #tpu.memory_space<hbm>> -> memref<128xf32, #tpu.memory_space<hbm>>
      %dma_wait3A_78 = arith.constant 0 : i32
      %dma_wait3A_79 = tpu.memref_slice %arg4[%add3A, %dma_wait3A_78] : memref<32x128xf32, #tpu.memory_space<hbm>> -> memref<1x128xf32, #tpu.memory_space<hbm>>
      %dma_wait3A_80 = tpu.memref_squeeze %dma_wait3A_79 : memref<1x128xf32, #tpu.memory_space<hbm>> -> memref<128xf32, #tpu.memory_space<hbm>>
      tpu.wait_dma2 semaphore(%run_scoped3A : memref<!tpu.dma_semaphore, #tpu.memory_space<semaphore_mem>>) src(%arg12 : memref<128xf32, #tpu.memory_space<vmem>>) dst(%dma_wait3A_80 : memref<128xf32, #tpu.memory_space<hbm>>)
      tpu.yield
    }) : () -> ()
    "tpu.region"() ({
      %run_scoped3A = tpu.sem_alloc : memref<!tpu.dma_semaphore, #tpu.memory_space<semaphore_mem>>
      %dma_start3A_69 = arith.constant 0 : i32
      %dma_start3A_70 = tpu.memref_slice %arg5[%add3A, %dma_start3A_69] : memref<32x128xf32, #tpu.memory_space<hbm>> -> memref<1x128xf32, #tpu.memory_space<hbm>>
      %dma_start3A_71 = tpu.memref_squeeze %dma_start3A_70 : memref<1x128xf32, #tpu.memory_space<hbm>> -> memref<128xf32, #tpu.memory_space<hbm>>
      %dma_start3A_72 = arith.constant 0 : i32
      %dma_start3A_73 = tpu.memref_slice %arg5[%add3A, %dma_start3A_72] : memref<32x128xf32, #tpu.memory_space<hbm>> -> memref<1x128xf32, #tpu.memory_space<hbm>>
      %dma_start3A_74 = tpu.memref_squeeze %dma_start3A_73 : memref<1x128xf32, #tpu.memory_space<hbm>> -> memref<128xf32, #tpu.memory_space<hbm>>
      tpu.enqueue_dma source(%arg13 : memref<128xf32, #tpu.memory_space<vmem>>) target(%dma_start3A_74 : memref<128xf32, #tpu.memory_space<hbm>>) target_semaphore(%run_scoped3A : memref<!tpu.dma_semaphore, #tpu.memory_space<semaphore_mem>>)
      %dma_wait3A_75 = arith.constant 0 : i32
      %dma_wait3A_76 = tpu.memref_slice %arg5[%add3A, %dma_wait3A_75] : memref<32x128xf32, #tpu.memory_space<hbm>> -> memref<1x128xf32, #tpu.memory_space<hbm>>
      %dma_wait3A_77 = tpu.memref_squeeze %dma_wait3A_76 : memref<1x128xf32, #tpu.memory_space<hbm>> -> memref<128xf32, #tpu.memory_space<hbm>>
      %dma_wait3A_78 = arith.constant 0 : i32
      %dma_wait3A_79 = tpu.memref_slice %arg5[%add3A, %dma_wait3A_78] : memref<32x128xf32, #tpu.memory_space<hbm>> -> memref<1x128xf32, #tpu.memory_space<hbm>>
      %dma_wait3A_80 = tpu.memref_squeeze %dma_wait3A_79 : memref<1x128xf32, #tpu.memory_space<hbm>> -> memref<128xf32, #tpu.memory_space<hbm>>
      tpu.wait_dma2 semaphore(%run_scoped3A : memref<!tpu.dma_semaphore, #tpu.memory_space<semaphore_mem>>) src(%arg13 : memref<128xf32, #tpu.memory_space<vmem>>) dst(%dma_wait3A_80 : memref<128xf32, #tpu.memory_space<hbm>>)
      tpu.yield
    }) : () -> ()
    return
  }
}

module attributes {stable_mosaic.version = 14 : i64} {
  func.func @_kl_body(%arg0: memref<32x128xf32, #tpu.memory_space<vmem>>, %arg1: memref<32x128xf32, #tpu.memory_space<vmem>>, %arg2: memref<1x1xf32, #tpu.memory_space<vmem>>) attributes {dimension_semantics = [], scalar_prefetch = 0 : i64, scratch_operands = 0 : i64, tpu.core_type = #tpu.core_type<tc>} {
    %get3A = arith.constant 0 : index
    %get3A_0 = arith.constant 0 : index
    %get3A_1 = vector.load %arg0[%get3A, %get3A_0] : memref<32x128xf32, #tpu.memory_space<vmem>>, vector<32x128xf32>
    %reduce_sum3A = arith.constant dense<0.000000e+00> : vector<128xf32>
    %reduce_sum3A_2 = vector.multi_reduction <add>, %get3A_1, %reduce_sum3A [0] : vector<32x128xf32> to vector<128xf32>
    %broadcast_in_dim3A = vector.shape_cast %reduce_sum3A_2 : vector<128xf32> to vector<1x128xf32>
    %get3A_3 = arith.constant 0 : index
    %get3A_4 = arith.constant 0 : index
    %get3A_5 = vector.load %arg1[%get3A_3, %get3A_4] : memref<32x128xf32, #tpu.memory_space<vmem>>, vector<32x128xf32>
    %reduce_sum3A_6 = arith.constant dense<0.000000e+00> : vector<128xf32>
    %reduce_sum3A_7 = vector.multi_reduction <add>, %get3A_5, %reduce_sum3A_6 [0] : vector<32x128xf32> to vector<128xf32>
    %broadcast_in_dim3A_8 = vector.shape_cast %reduce_sum3A_7 : vector<128xf32> to vector<1x128xf32>
    %iota3A = tpu.iota {dimensions = array<i32: 1>} : vector<1x128xi32>
    %ge3A = arith.constant 1 : i32
    %ge3A_9 = vector.broadcast %ge3A : i32 to vector<1x128xi32>
    %ge3A_10 = arith.cmpi sge, %iota3A, %ge3A_9 : vector<1x128xi32>
    %le3A = arith.constant 100 : i32
    %le3A_11 = vector.broadcast %le3A : i32 to vector<1x128xi32>
    %le3A_12 = arith.cmpi sle, %iota3A, %le3A_11 : vector<1x128xi32>
    %and3A = arith.andi %ge3A_10, %le3A_12 : vector<1x128xi1>
    %jit3A = arith.constant 0.000000e+00 : f32
    %broadcast_in_dim3A_13 = vector.broadcast %jit3A : f32 to vector<1x128xf32>
    %select_n3A = arith.select %and3A, %broadcast_in_dim3A, %broadcast_in_dim3A_13 : vector<1x128xi1>, vector<1x128xf32>
    %jit3A_14 = arith.constant 0.000000e+00 : f32
    %broadcast_in_dim3A_15 = vector.broadcast %jit3A_14 : f32 to vector<1x128xf32>
    %select_n3A_16 = arith.select %and3A, %broadcast_in_dim3A_8, %broadcast_in_dim3A_15 : vector<1x128xi1>, vector<1x128xf32>
    %reduce_sum3A_17 = vector.shape_cast %select_n3A : vector<1x128xf32> to vector<1x1x128xf32>
    %reduce_sum3A_18 = arith.constant dense<0.000000e+00> : vector<1xf32>
    %reduce_sum3A_19 = vector.multi_reduction <add>, %reduce_sum3A_17, %reduce_sum3A_18 [1, 2] : vector<1x1x128xf32> to vector<1xf32>
    %reduce_sum3A_20 = vector.shape_cast %reduce_sum3A_19 : vector<1xf32> to vector<1x1x1xf32>
    %reduce_sum3A_21 = vector.extract %reduce_sum3A_20[0, 0, 0] : f32 from vector<1x1x1xf32>
    %max3A = arith.constant 9.99999996E-13 : f32
    %max3A_22 = arith.maximumf %reduce_sum3A_21, %max3A : f32
    %div3A = vector.broadcast %max3A_22 : f32 to vector<1x128xf32>
    %div3A_23 = arith.divf %select_n3A, %div3A : vector<1x128xf32>
    %reduce_sum3A_24 = vector.shape_cast %select_n3A_16 : vector<1x128xf32> to vector<1x1x128xf32>
    %reduce_sum3A_25 = arith.constant dense<0.000000e+00> : vector<1xf32>
    %reduce_sum3A_26 = vector.multi_reduction <add>, %reduce_sum3A_24, %reduce_sum3A_25 [1, 2] : vector<1x1x128xf32> to vector<1xf32>
    %reduce_sum3A_27 = vector.shape_cast %reduce_sum3A_26 : vector<1xf32> to vector<1x1x1xf32>
    %reduce_sum3A_28 = vector.extract %reduce_sum3A_27[0, 0, 0] : f32 from vector<1x1x1xf32>
    %max3A_29 = arith.constant 9.99999996E-13 : f32
    %max3A_30 = arith.maximumf %reduce_sum3A_28, %max3A_29 : f32
    %div3A_31 = vector.broadcast %max3A_30 : f32 to vector<1x128xf32>
    %div3A_32 = arith.divf %select_n3A_16, %div3A_31 : vector<1x128xf32>
    %gt3A = arith.constant 0.000000e+00 : f32
    %gt3A_33 = vector.broadcast %gt3A : f32 to vector<1x128xf32>
    %gt3A_34 = arith.cmpf ogt, %div3A_32, %gt3A_33 : vector<1x128xf32>
    %jit3A_35 = arith.constant 1.000000e+00 : f32
    %broadcast_in_dim3A_36 = vector.broadcast %jit3A_35 : f32 to vector<1x128xf32>
    %select_n3A_37 = arith.select %gt3A_34, %div3A_32, %broadcast_in_dim3A_36 : vector<1x128xi1>, vector<1x128xf32>
    %gt3A_38 = arith.constant 0.000000e+00 : f32
    %gt3A_39 = vector.broadcast %gt3A_38 : f32 to vector<1x128xf32>
    %gt3A_40 = arith.cmpf ogt, %div3A_32, %gt3A_39 : vector<1x128xf32>
    %log3A = math.log %select_n3A_37 : vector<1x128xf32>
    %mul3A = arith.mulf %div3A_32, %log3A : vector<1x128xf32>
    %jit3A_41 = arith.constant 0.000000e+00 : f32
    %broadcast_in_dim3A_42 = vector.broadcast %jit3A_41 : f32 to vector<1x128xf32>
    %select_n3A_43 = arith.select %gt3A_40, %mul3A, %broadcast_in_dim3A_42 : vector<1x128xi1>, vector<1x128xf32>
    %mul3A_44 = arith.mulf %div3A_32, %div3A_23 : vector<1x128xf32>
    %sub3A = arith.subf %select_n3A_43, %mul3A_44 : vector<1x128xf32>
    %reduce_sum3A_45 = vector.shape_cast %sub3A : vector<1x128xf32> to vector<1x1x128xf32>
    %reduce_sum3A_46 = arith.constant dense<0.000000e+00> : vector<1xf32>
    %reduce_sum3A_47 = vector.multi_reduction <add>, %reduce_sum3A_45, %reduce_sum3A_46 [1, 2] : vector<1x1x128xf32> to vector<1xf32>
    %reduce_sum3A_48 = vector.shape_cast %reduce_sum3A_47 : vector<1xf32> to vector<1x1x1xf32>
    %reduce_sum3A_49 = vector.extract %reduce_sum3A_48[0, 0, 0] : f32 from vector<1x1x1xf32>
    %broadcast_in_dim3A_50 = vector.broadcast %reduce_sum3A_49 : f32 to vector<1x1xf32>
    %div3A_51 = arith.constant 1.000000e+02 : f32
    %div3A_52 = vector.broadcast %div3A_51 : f32 to vector<1x1xf32>
    %div3A_53 = arith.divf %broadcast_in_dim3A_50, %div3A_52 : vector<1x1xf32>
    %swap3A = arith.constant 0 : index
    %swap3A_54 = arith.constant 0 : index
    %swap3A_55 = vector.load %arg2[%swap3A, %swap3A_54] : memref<1x1xf32, #tpu.memory_space<vmem>>, vector<1x1xf32>
    tpu.vector_store %arg2[%swap3A, %swap3A_54], %div3A_53 {strides = array<i32>} : memref<1x1xf32, #tpu.memory_space<vmem>>, vector<1x1xf32>,
    return
  }
}

</mosaic_0001>

<sc_bundles>
// kernel: kernel.4.cloned.1.call-start
scs
__scs_entry_jumppad:
0x0: {  	(pc) =	sbr.rel $0x88, $3  }
0x1: {  	(tag) =	ssettag $0x0;
	lr =	simm.s32 $0x1  }
0x2: {  	[smem:$0x3F9F] =	sst lr;
	_ =	strace $0xD0000000  }
0x3: {  	_ = 	snop  }
0x4: {  	_ = 	snop  }
0x5: {  	_ = 	snop  }
0x6: {  	_ = 	snop  }
0x7: {  	_ = 	snop  }
__scs_overlays_trampoline_lowered:
0x8: {  	[smem:$0x3FAE] =	sst s0  }
0x9: {  	[smem:$0x3FAF] =	sst s1  }
0xa: {  	[smem:$0x3FB0] =	sst s2  }
0xb: {  	[smem:$0x3FB1] =	sst s3  }
0xc: {  	[smem:$0x3FB2] =	sst s4  }
0xd: {  	[smem:$0x3FB3] =	sst s5  }
0xe: {  	[smem:$0x3FB4] =	sst s6  }
0xf: {  	[smem:$0x3FB5] =	sst s7  }
0x10: {  	[smem:$0x3FB6] =	sst s8  }
0x11: {  	[smem:$0x3FB7] =	sst s9;
	s0 =	simm.s32 @!p0 $0x0  }
0x12: {  	s1 =	sld [smem:$0x3F9D];
	s0 =	simm.s32 @p0 $0x1  }
0x13: {  	[smem:$0x3FB8] =	sst s0;
	s0 =	simm.s32 @!p1 $0x0  }
0x14: {  	s2 =	sld [smem:$0x3F9C];
	s0 =	simm.s32 @p1 $0x1  }
0x15: {  	[smem:$0x3FB9] =	sst s0;
	s0 =	simm.s32 @!p2 $0x0  }
0x16: {  	s3 =	sld [smem:$0x3FDB];
	s0 =	simm.s32 @p2 $0x1  }
0x17: {  	s4 =	simm.s32 $0x1BF5;
	[smem:$0x3FBB] =	sst s0  }
0x18: {  	s0 =	sld [smem:$0x3F9E];
	_ =	swait.ge [sflag:s4], $0x0  }
0x19: {  	s7 =	sld [smem:$0x3F9F]  }
0x1a: {  	s8 =	sadd.s32 $0xFFFFE003, lr  }
0x1b: {  	s9 =	sadd.s32 $0xFFFFFEF7, lr;
	s5 =	simm.s32 $0xFFFFFFFF;
	p2 =	slt.u32 s8, $0xFFFFF086  }
0x1c: {  	p1 =	slt.u32 s9, $0xF7A;
	s5 =	simm.s32 @!p2 $0x0  }
0x1d: {  	s5 =	simm.s32 @p1 $0x1;
	p0 =	seq.s32 s7, s2  }
0x1e: {  	s7 =	smul.u32 @!p0 $0xF7A, s2;
	p2 =	seq.s32 @!p0 s5, $0x0  }
0x1f: {  	s9 =	smul.u32 $0xF7A, s1;
	s8 =	simm.s32 @!p0 $0x1BF5;
	p2 =	por !p2, p0  }
0x20: {  	[sflag:s8] =	ssyncset.s32 @!p0 $0xFFFFF086;
	s6 =	sadd.s32 @!p0 s3, s7;
	s7 =	simm.s32 @!p0 $0x108  }
0x21: {  	s3 =	sadd.s32 s3, s9;
	s6 =	sadd.s32 @!p0 $0x88, s6;
	s7 =	simm.s32 @p2 $0x1082  }
0x22: {  	[simem:s7], [sflag:s8] =	dma.local @!p0 [hbm:s6], $0xF7A  }
0x23: {  	s9 =	sor.u32 $0xD0000000, s2;
	s6 =	simm.s32 $0x108;
	_ =	swait.ge @!p0 [sflag:s8], $0x0  }
0x24: {  	s3 =	sadd.s32 $0x88, s3;
	s6 =	simm.s32 @!p1 $0x1082;
	[sflag:s4] =	ssyncset.s32 $0xFFFFF086  }
0x25: {  	[simem:s6], [sflag:s4] =	dma.local [hbm:s3], $0xF7A  }
0x26: {  	[smem:$0x3F9F] =	sst s1;
	(tag) =	ssettag s2;
	_ =	strace s9  }
0x27: {  	s1 =	sld [smem:$0x3FAF]  }
0x28: {  	s2 =	sld [smem:$0x3FB0]  }
0x29: {  	s4 =	sld [smem:$0x3FB2]  }
0x2a: {  	p0 =	seq.s32 s5, $0x0;
	s5 =	sld [smem:$0x3FB3]  }
0x2b: {  	s6 =	sld [smem:$0x3FB4]  }
0x2c: {  	s7 =	sld [smem:$0x3FB5]  }
0x2d: {  	s3 =	simm.s32 $0x108;
	s8 =	sld [smem:$0x3FB6]  }
0x2e: {  	s3 =	simm.s32 @!p0 $0x1082;
	s9 =	sld [smem:$0x3FB7]  }
0x2f: {  	lr =	sadd.s32 s0, s3;
	s0 =	sld [smem:$0x3FAE]  }
0x30: {  	s3 =	sld [smem:$0x3FB1]  }
0x31: {  	[smem:$0x3FBA] =	sst s10  }
0x32: {  	s10 =	sld [smem:$0x3FB8];
	_ =	sdelay $0x3  }
0x33: {  	p0 =	seq.s32 s10, $0x1;
	s10 =	sld [smem:$0x3FBA];
	_ =	sdelay $0x3  }
0x34: {  	[smem:$0x3FBA] =	sst s10  }
0x35: {  	s10 =	sld [smem:$0x3FB9];
	_ =	sdelay $0x3  }
0x36: {  	p1 =	seq.s32 s10, $0x1;
	s10 =	sld [smem:$0x3FBA];
	_ =	sdelay $0x3  }
0x37: {  	[smem:$0x3FBA] =	sst s10  }
0x38: {  	s10 =	sld [smem:$0x3FBB]  }
0x39: {  	_ = 	snop;
	(pc) =	sbr.ind lr, $3  }
0x3a: {  	_ = 	snop  }
0x3b: {  	_ = 	snop  }
0x3c: {  	p2 =	seq.s32 s10, $0x1;
	s10 =	sld [smem:$0x3FBA]  }
0x3d: {  	_ =	shalt  }
0x3e: {  	_ =	shalt  }
0x3f: {  	_ =	shalt  }
0x40: {  	_ =	shalt  }
0x41: {  	_ =	shalt  }
0x42: {  	_ =	shalt  }
0x43: {  	_ =	shalt  }
0x44: {  	_ =	shalt  }
0x45: {  	_ =	shalt  }
0x46: {  	_ =	shalt  }
0x47: {  	_ =	shalt  }
0x48: {  	_ =	shalt  }
0x49: {  	_ =	shalt  }
0x4a: {  	_ =	shalt  }
0x4b: {  	_ =	shalt  }
0x4c: {  	_ =	shalt  }
0x4d: {  	_ =	shalt  }
0x4e: {  	_ =	shalt  }
0x4f: {  	_ =	shalt  }
0x50: {  	_ =	shalt  }
0x51: {  	_ =	shalt  }
0x52: {  	_ =	shalt  }
0x53: {  	_ =	shalt  }
0x54: {  	_ =	shalt  }
0x55: {  	_ =	shalt  }
0x56: {  	_ =	shalt  }
0x57: {  	_ =	shalt  }
0x58: {  	_ =	shalt  }
0x59: {  	_ =	shalt  }
0x5a: {  	_ =	shalt  }
0x5b: {  	_ =	shalt  }
0x5c: {  	_ =	shalt  }
0x5d: {  	_ =	shalt  }
0x5e: {  	_ =	shalt  }
0x5f: {  	_ =	shalt  }
0x60: {  	_ =	shalt  }
0x61: {  	_ =	shalt  }
0x62: {  	_ =	shalt  }
0x63: {  	_ =	shalt  }
0x64: {  	_ =	shalt  }
0x65: {  	_ =	shalt  }
0x66: {  	_ =	shalt  }
0x67: {  	_ =	shalt  }
0x68: {  	_ =	shalt  }
0x69: {  	_ =	shalt  }
0x6a: {  	_ =	shalt  }
0x6b: {  	_ =	shalt  }
0x6c: {  	_ =	shalt  }
0x6d: {  	_ =	shalt  }
0x6e: {  	_ =	shalt  }
0x6f: {  	_ =	shalt  }
0x70: {  	_ =	shalt  }
0x71: {  	_ =	shalt  }
0x72: {  	_ =	shalt  }
0x73: {  	_ =	shalt  }
0x74: {  	_ =	shalt  }
0x75: {  	_ =	shalt  }
0x76: {  	_ =	shalt  }
0x77: {  	_ =	shalt  }
0x78: {  	_ =	shalt  }
0x79: {  	_ =	shalt  }
0x7a: {  	_ =	shalt  }
0x7b: {  	_ =	shalt  }
0x7c: {  	_ =	shalt  }
0x7d: {  	_ =	shalt  }
0x7e: {  	_ =	shalt  }
0x7f: {  	_ =	shalt  }
0x80: {  	_ =	shalt  }
0x81: {  	_ =	shalt  }
0x82: {  	_ =	shalt  }
0x83: {  	_ =	shalt  }
0x84: {  	_ =	shalt  }
0x85: {  	_ =	shalt  }
0x86: {  	_ =	shalt  }
0x87: {  	_ =	shalt  }
.Lfunc_end0:
.L_simem_size_0:
called_computation_lowered:
.L_overlay_start_0:
0x88: {  	s2 =	sld [smem:$0x3FD9]  }
0x89: {  	s3 =	sld [smem:$0x3FFE];
	_ =	sdelay $0x1  }
0x8a: {  	s1 =	srdreg.scid  }
0x8b: {  	s0 =	sand.u32 $0x1, s1  }
0x8c: {  	s17 =	sshll.u32 s0, $0xA;
	s2 =	sadd.s32 s3, s2  }
0x8d: {  	s2 =	sadd.s32 s2, s17  }
0x8e: {  	[smem:$0x3FC6] =	sst s2  }
0x8f: {  	_ = 	snop  }
0x90: {  	s2 =	sld [smem:$0x3FC9]  }
0x91: {  	s18 =	sld [smem:$0x3FC8];
	(tm) =	ssettm $0x1  }
0x92: {  	s4 =	sld [smem:$0x3FFB];
	_ =	sdelay $0x3  }
0x93: {  	_ =	strace s4  }
0x94: {  	s4 =	sld [smem:$0x3FFC];
	_ =	sdelay $0x3  }
0x95: {  	_ =	strace s4  }
0x96: {  	s4 =	sld [smem:$0x3FFD];
	_ =	sdelay $0x3  }
0x97: {  	_ =	strace s4  }
0x98: {  	_ =	strace $0x8FFFFFFF  }
0x99: {  	s19 =	sld [smem:$0x3FDB];
	_ =	sdelay $0x1  }
0x9a: {  	s5 =	simm.s32 $_scs_section_size  }
0x9b: {  	s6 =	simm.s32 $_size__tile_overlayer_lowered;
	s7 =	simm.s32 $_tile_overlayer_lowered  }
0x9c: {  	s22 =	simm.s32 $0x1BFF;
	s21 =	sshll.u32 s7, $0x1;
	s4 =	sadd.s32 s5, s19  }
0x9d: {  	s8 =	simm.s32 $0x0;
	s20 =	sshll.u32 s6, $0x1;
	s6 =	sadd.s32 s21, s4  }
0x9e: {  	[timem:s8], [sflag:s22] =	dma.local [hbm:s6], s20  }
0x9f: {  	_ =	swait.ge [sflag:s22], s20  }
0xa0: {  	s5 =	ssub.s32 $0x0, s20;
	[sflag:s22] =	ssyncset.done $0x0  }
0xa1: {  	[sflag:s22] =	ssyncadd.s32 s5;
	_ =	sdelay $0x1  }
0xa2: {  	s23 =	simm.s32 $0x1B8B  }
0xa3: {  	_ =	swait.ge [sflag:s23], $0x1  }
0xa4: {  	[sflag:s23] =	ssyncset.done $0x0  }
0xa5: {  	s25 =	simm.s32 $0x1B8E;
	s24 =	sld [smem:$0x3FFE];
	[sflag:s23] =	ssyncadd.s32 $0xFFFFFFFF  }
0xa6: {  	s26 =	simm.s32 $execute0_lowered;
	[smem:$0x3FD2] =	sst s25  }
0xa7: {  	s6 =	sshll.u32 s26, $0x1;
	_ =	strace $0x80000046;
	[dreg:$0x1] =	wrdreg $0xFFFFFFFF  }
0xa8: {  	s28 =	simm.s32 $_size_execute0_lowered;
	s4 =	sadd.s32 s4, s6;
	[dreg:$0x0] =	wrdreg $0x0  }
0xa9: {  	s6 =	sshll.u32 s28, $0x1;
	[dreg:$0x2] =	wrdreg s4  }
0xaa: {  	[dreg:$0x3] =	wrdreg s6  }
0xab: {  	[dreg:$0x4] =	wrdreg $0xC0  }
0xac: {  	_ =	task [dreg:s8], $0x5FFFF  }
0xad: {  	[dreg:$0x1] =	wrdreg $0xFFFFFFFF  }
0xae: {  	[dreg:$0x0] =	wrdreg $0x60  }
0xaf: {  	[dreg:$0x2] =	wrdreg s2  }
0xb0: {  	[dreg:$0x3] =	wrdreg s18  }
0xb1: {  	[dreg:$0x4] =	wrdreg s24  }
0xb2: {  	[dreg:$0x5] =	wrdreg $0x9  }
0xb3: {  	_ =	task.clear_ibuf [dreg:s8], $0x6FFFF;
	_ =	strace $0x90000046  }
0xb4: {  	s29 =	simm.s32 $0x9;
	_ =	strace $0x80000048  }
0xb5: {  	_ =	swait.ge [sflag:s29], $0x1  }
0xb6: {  	[sflag:s29] =	ssyncadd.s32 $0xFFFFFFFF  }
0xb7: {  	_ =	strace $0x90000048  }
0xb8: {  	_ =	sfence  }
0xb9: {  	s30 =	sld [smem:$0x0];
	_ =	sdelay $0x2  }
0xba: {  	s31 =	sshll.u32 s1, $0xD;
	s1 =	sshrl.u32 s1, $0x2  }
0xbb: {  	s3 =	sand.u32 $0x4000, s31;
	s1 =	sadd.s32 s1, s30  }
0xbc: {  	s0 =	sor.u32 s3, s0;
	s1 =	sshll.u32 s1, $0x11  }
0xbd: {  	s0 =	sor.u32 s1, s0  }
0xbe: {  	s0 =	sadd.s32 $0x8F2B, s0  }
0xbf: {  	[sflag:s0] =	ssyncadd.remote.s32 $0x1  }
0xc0: {  	_ =	sfence.sel $0xFFFF  }
0xc1: {  	[dreg:$0x0] =	wrdreg $0xFFFFFFFF;
	(pc) =	sbr.abs _section_cstart, $3  }
0xc2: {  	[dreg:$0x1] =	wrdreg $0xFFFFFFFF  }
0xc3: {  	_ =	task.clear_ibuf [dreg:s8], $0x2FFFF;
	_ =	strace $0x9FFFFFFF  }
0xc4: {  	(tm) =	ssettm $0x7FFFFFFF  }
0xc5: {  	_ =	shalt  }
tec
execute0_lowered:
.L_overlay_start_1:
0x0: {  	(tag) =	ssettag $0x1  }
0x1: {  	s5 =	rddreg [dreg:$0x0]  }
0x2: {  	s6 =	rddreg [dreg:$0x1]  }
0x3: {  	s3 =	rddreg [dreg:$0x2]  }
0x4: {  	s0 =	rddreg [dreg:$0x3]  }
0x5: {  	s2 =	simm.s32 $0x0;
	s4 =	srdreg.scid;
	s1 =	stileid.u32  }
0x6: {  	s11 =	simm.s32 $0x1;
	s12 =	simm.s32 $0x2;
	s13 =	simm.s32 $0x1A00  }
0x7: {  	s14 =	simm.s32 $0x2280;
	s15 =	simm.s32 $0x2B00;
	s16 =	simm.s32 $0x3  }
0x8: {  	s17 =	simm.s32 $0x2B80;
	s18 =	simm.s32 $0x0;
	[smem:$0x7FF] =	sst s2  }
0x9: {  	s4 =	sand.u32 $0x1, s4;
	s7 =	sshll.u32 s1, $0x1;
	p0 =	sgt.u32 s1, $0x4  }
0xa: {  	_ =	strace $0x80000047;
	s7 =	sor.u32 s4, s7;
	s4 =	ssub.s32 $0x2, s4  }
0xb: {  	s8 =	sshll.u32 s7, $0x4;
	s9 =	sshrl.u32 s4, $0x1;
	s10 =	smul.u32 $0x186, s7  }
0xc: {  	s7 =	sshll.u32 s7, $0x1;
	s8 =	sadd.s32 s8, s3;
	s9 =	ssub.s32 s4, s9  }
0xd: {  	s7 =	sor.u32 $0x30C0, s7;
	s3 =	sadd.s32 s5, s10;
	s4 =	sadd.s32 s6, s10  }
0xe: {  	v1 =	vlaneseq.u32;
	s5 =	sadd.s32 s5, s7;
	s6 =	sadd.s32 s6, s7;
	s7 =	sadd.s32 $0xC00, s8  }
0xf: {  	v0 =	vimm.f32 $0.0e+00;
	v2 =	vimm.f32 $1.000000000e+00;
	v1 =	vmul.u32 $0x81, v1;
	s8 =	sadd.s32 $0xE00, s8;
	s9 =	smax.u32 s9, $0x1;
	s10 =	simm.s32 $0xC80  }
.LBB2_1:
0x10: {  	[tilespmem:s2], [sflag:$0x1] =	stream.linear.gather [hbm4b:s3+s2], $0xC30, $0x38;
	[tilespmem:$0x2C00] =	vst v63  }
0x11: {  	s20 =	simm.s32 $0x1A10  }
0x12: {  	[tilespmem:s10], [sflag:$0x2] =	stream.linear.gather [hbm4b:s4+s2], $0xC30, $0x38;
	[tilespmem:$0x2C00] =	vst v63  }
0x13: {  	s19 =	simm.s32 $0x2290;
	[tilespmem:s20+$0xFFFFFFF0] =	vst v0  }
0x14: {  	[tilespmem:s19+$0xFFFFFFF0] =	vst v0  }
0x15: {  	s21 =	simm.s32 $0x0;
	[tilespmem:s20+$0x0] =	vst v0  }
.LBB2_2:
0x16: {  	s21 =	sadd.s32 $0x2, s21  }
0x17: {  	[tilespmem:s19+$0x0] =	vst v0;
	s19 =	sadd.s32 $0x20, s19;
	s20 =	sadd.s32 $0x20, s20;
	p1 =	slt.u32 s21, $0x80  }
.Ltmp0:
0x18: {  	(pc) =	sbr.rel @p1 .LBB2_2-.Ltmp0, $4  }
0x19: {  	_ = 	snop  }
0x1a: {  	[tilespmem:s20+$0xFFFFFFF0] =	vst v0  }
0x1b: {  	[tilespmem:s19+$0xFFFFFFF0] =	vst v0  }
0x1c: {  	[tilespmem:s20+$0x0] =	vst v0  }
0x1d: {  	[tilespmem:s19+$0x0] =	vst v0  }
0x1e: {  	_ =	swait.ge [sflag:s11], $0xC30  }
0x1f: {  	[sflag:s11] =	ssyncset.done $0x0  }
0x20: {  	[sflag:s11] =	ssyncadd.s32 $0xFFFFF3D0  }
0x21: {  	_ =	swait.ge [sflag:s12], $0xC30  }
0x22: {  	s19 =	simm.s32 $0xFFFFFFFC;
	[sflag:s12] =	ssyncset.done $0x0  }
0x23: {  	s20 =	simm.s32 $0xCA0;
	s21 =	simm.s32 $0x20;
	[sflag:s12] =	ssyncadd.s32 $0xFFFFF3D0  }
.LBB2_4:
0x24: {  	v3 =	vld [tilespmem:s21+$0xFFFFFFE0];
	_ =	sdelay $0x4  }
0x25: {  	v3 =	vadd.s32 v1, v3;
	_ =	sdelay $0x4  }
0x26: {  	[tilespmem:v3+s13+$0x0] =	vst.idx.add.f32.msk $0xffff, v2  }
0x27: {  	v3 =	vld [tilespmem:s20+$0xFFFFFFE0];
	_ =	sdelay $0x4  }
0x28: {  	v3 =	vadd.s32 v1, v3;
	_ =	sdelay $0x4  }
0x29: {  	[tilespmem:v3+s14+$0x0] =	vst.idx.add.f32.msk $0xffff, v2  }
0x2a: {  	v3 =	vld [tilespmem:s21+$0xFFFFFFF0];
	_ =	sdelay $0x4  }
0x2b: {  	v3 =	vadd.s32 v1, v3;
	_ =	sdelay $0x4  }
0x2c: {  	[tilespmem:v3+s13+$0x0] =	vst.idx.add.f32.msk $0xffff, v2  }
0x2d: {  	v3 =	vld [tilespmem:s20+$0xFFFFFFF0];
	_ =	sdelay $0x4  }
0x2e: {  	v3 =	vadd.s32 v1, v3;
	_ =	sdelay $0x4  }
0x2f: {  	[tilespmem:v3+s14+$0x0] =	vst.idx.add.f32.msk $0xffff, v2  }
0x30: {  	v3 =	vld [tilespmem:s21+$0x0];
	_ =	sdelay $0x4  }
0x31: {  	v3 =	vadd.s32 v1, v3;
	_ =	sdelay $0x4  }
0x32: {  	[tilespmem:v3+s13+$0x0] =	vst.idx.add.f32.msk $0xffff, v2  }
0x33: {  	v3 =	vld [tilespmem:s20+$0x0];
	_ =	sdelay $0x4  }
0x34: {  	v3 =	vadd.s32 v1, v3;
	_ =	sdelay $0x4  }
0x35: {  	[tilespmem:v3+s14+$0x0] =	vst.idx.add.f32.msk $0xffff, v2  }
0x36: {  	v3 =	vld [tilespmem:s21+$0x10];
	_ =	sdelay $0x4  }
0x37: {  	v3 =	vadd.s32 v1, v3;
	_ =	sdelay $0x4  }
0x38: {  	[tilespmem:v3+s13+$0x0] =	vst.idx.add.f32.msk $0xffff, v2  }
0x39: {  	v3 =	vld [tilespmem:s20+$0x10];
	_ =	sdelay $0x3  }
0x3a: {  	s19 =	sadd.s32 $0x4, s19  }
0x3b: {  	p1 =	slt.u32 s19, $0xBC;
	v3 =	vadd.s32 v1, v3  }
.Ltmp1:
0x3c: {  	_ = 	snop;
	(pc) =	sbr.rel @p1 .LBB2_4-.Ltmp1, $2  }
0x3d: {  	_ =	sdelay $0x2  }
0x3e: {  	s21 =	sadd.s32 $0x40, s21;
	s20 =	sadd.s32 $0x40, s20;
	[tilespmem:v3+s14+$0x0] =	vst.idx.add.f32.msk $0xffff, v2  }
0x3f: {  	v3 =	vld [tilespmem:$0xC00];
	_ =	sdelay $0x4  }
0x40: {  	v3 =	vadd.s32 v1, v3;
	_ =	sdelay $0x4  }
0x41: {  	[tilespmem:v3+s13+$0x0] =	vst.idx.add.f32.msk $0xffff, v2  }
0x42: {  	v3 =	vld [tilespmem:$0x1880];
	_ =	sdelay $0x4  }
0x43: {  	v3 =	vadd.s32 v1, v3;
	_ =	sdelay $0x4  }
0x44: {  	[tilespmem:v3+s14+$0x0] =	vst.idx.add.f32.msk $0xffff, v2  }
0x45: {  	v3 =	vld [tilespmem:$0xC10];
	_ =	sdelay $0x4  }
0x46: {  	v3 =	vadd.s32 v1, v3;
	_ =	sdelay $0x4  }
0x47: {  	[tilespmem:v3+s13+$0x0] =	vst.idx.add.f32.msk $0xffff, v2  }
0x48: {  	v3 =	vld [tilespmem:$0x1890];
	_ =	sdelay $0x4  }
0x49: {  	v3 =	vadd.s32 v1, v3;
	_ =	sdelay $0x4  }
0x4a: {  	[tilespmem:v3+s14+$0x0] =	vst.idx.add.f32.msk $0xffff, v2  }
0x4b: {  	v3 =	vld [tilespmem:$0xC20];
	_ =	sdelay $0x4  }
0x4c: {  	v3 =	vadd.s32 v1, v3;
	_ =	sdelay $0x4  }
0x4d: {  	[tilespmem:v3+s13+$0x0] =	vst.idx.add.f32.msk $0xffff, v2  }
0x4e: {  	v3 =	vld [tilespmem:$0x18A0];
	_ =	sdelay $0x4  }
0x4f: {  	v3 =	vadd.s32 v1, v3;
	_ =	sdelay $0x4  }
0x50: {  	s19 =	simm.s32 @!p0 $0x0;
	s20 =	simm.s32 @!p0 $0x1900;
	[tilespmem:v3+s14+$0x0] =	vst.idx.add.f32.msk $0xffff, v2  }
0x51: {  	[tilespmem:s20], [sflag:$0x3] =	stream.linear.gather @!p0 [hbm4b:s5+s19], $0x10, $0x38;
	[tilespmem:$0x2C00] =	vst v63  }
0x52: {  	s20 =	simm.s32 @!p0 $0x3  }
0x53: {  	_ =	swait.ge @!p0 [sflag:s20], $0x10  }
0x54: {  	[sflag:s20] =	ssyncset.done @!p0 $0x0  }
0x55: {  	s21 =	simm.s32 @!p0 $0x1980;
	[sflag:s20] =	ssyncadd.s32 @!p0 $0xFFFFFFF0  }
0x56: {  	[tilespmem:s21], [sflag:$0x3] =	stream.linear.gather @!p0 [hbm4b:s6+s19], $0x10, $0x38;
	[tilespmem:$0x2C00] =	vst v63  }
0x57: {  	_ =	swait.ge @!p0 [sflag:s20], $0x10  }
0x58: {  	[sflag:s20] =	ssyncset.done @!p0 $0x0  }
0x59: {  	[sflag:s20] =	ssyncadd.s32 @!p0 $0xFFFFFFF0  }
0x5a: {  	v3 =	vld @!p0 [tilespmem:$0x1900];
	_ =	sdelay $0x1  }
0x5b: {  	v4 =	vlaneseq.u32 @!p0  }
0x5c: {  	v4 =	vmul.u32 @!p0 $0x81, v4;
	_ =	sdelay $0x1  }
0x5d: {  	v3 =	vadd.s32 @!p0 v4, v3;
	_ =	sdelay $0x3  }
0x5e: {  	v5 =	vimm.f32 @!p0 $1.000000000e+00;
	s19 =	simm.s32 @!p0 $0x1A00  }
0x5f: {  	[tilespmem:v3+s19+$0x0] =	vst.idx.add.f32.msk @!p0 $0xffff, v5  }
0x60: {  	v3 =	vld @!p0 [tilespmem:$0x1980];
	_ =	sdelay $0x4  }
0x61: {  	v3 =	vadd.s32 @!p0 v4, v3;
	_ =	sdelay $0x3  }
0x62: {  	s19 =	simm.s32 @!p0 $0x2280  }
0x63: {  	[tilespmem:v3+s19+$0x0] =	vst.idx.add.f32.msk @!p0 $0xffff, v5;
	s19 =	simm.s32 $0x0  }
0x64: {  	v3 =	vld [tilespmem:s19+$0x2280]  }
0x65: {  	v4 =	vld [tilespmem:s19+$0x1A00]  }
0x66: {  	v5 =	vld [tilespmem:s19+$0x2301]  }
0x67: {  	v6 =	vld [tilespmem:s19+$0x1A81]  }
0x68: {  	v7 =	vld [tilespmem:s19+$0x2382]  }
0x69: {  	v8 =	vld [tilespmem:s19+$0x1B02];
	v3 =	vadd.f32 $0.0e+00, v3  }
0x6a: {  	v9 =	vld [tilespmem:s19+$0x2403];
	v4 =	vadd.f32 $0.0e+00, v4  }
0x6b: {  	v3 =	vadd.f32 v5, v3;
	v5 =	vld [tilespmem:s19+$0x1B83]  }
0x6c: {  	v10 =	vld [tilespmem:s19+$0x2484];
	v4 =	vadd.f32 v6, v4  }
0x6d: {  	v6 =	vld [tilespmem:s19+$0x1C04];
	v3 =	vadd.f32 v7, v3  }
0x6e: {  	v7 =	vld [tilespmem:s19+$0x2505];
	v4 =	vadd.f32 v8, v4  }
0x6f: {  	v8 =	vld [tilespmem:s19+$0x1C85];
	v3 =	vadd.f32 v9, v3  }
0x70: {  	v9 =	vld [tilespmem:s19+$0x2586];
	v4 =	vadd.f32 v5, v4  }
0x71: {  	v5 =	vld [tilespmem:s19+$0x1D06];
	v3 =	vadd.f32 v10, v3  }
0x72: {  	v10 =	vld [tilespmem:s19+$0x2607];
	v4 =	vadd.f32 v6, v4  }
0x73: {  	v6 =	vld [tilespmem:s19+$0x1D87];
	v3 =	vadd.f32 v7, v3  }
0x74: {  	v7 =	vld [tilespmem:s19+$0x2688];
	v4 =	vadd.f32 v8, v4  }
0x75: {  	v8 =	vld [tilespmem:s19+$0x1E08];
	v3 =	vadd.f32 v9, v3  }
0x76: {  	v9 =	vld [tilespmem:s19+$0x2709];
	v4 =	vadd.f32 v5, v4  }
0x77: {  	v5 =	vld [tilespmem:s19+$0x1E89];
	v3 =	vadd.f32 v10, v3  }
0x78: {  	v10 =	vld [tilespmem:s19+$0x278A];
	v4 =	vadd.f32 v6, v4  }
0x79: {  	v6 =	vld [tilespmem:s19+$0x1F0A];
	v3 =	vadd.f32 v7, v3  }
0x7a: {  	v7 =	vld [tilespmem:s19+$0x280B];
	v4 =	vadd.f32 v8, v4  }
0x7b: {  	v8 =	vld [tilespmem:s19+$0x1F8B];
	v3 =	vadd.f32 v9, v3  }
0x7c: {  	v9 =	vld [tilespmem:s19+$0x288C];
	v4 =	vadd.f32 v5, v4  }
0x7d: {  	v3 =	vadd.f32 v10, v3;
	v10 =	vld [tilespmem:s19+$0x200C]  }
0x7e: {  	v11 =	vld [tilespmem:s19+$0x290D];
	v5 =	vadd.f32 v6, v4  }
0x7f: {  	v6 =	vadd.f32 v7, v3;
	v3 =	vld [tilespmem:s19+$0x208D]  }
0x80: {  	v4 =	vld [tilespmem:s19+$0x298E];
	v7 =	vadd.f32 v8, v5  }
0x81: {  	v5 =	vld [tilespmem:s19+$0x210E];
	v9 =	vadd.f32 v9, v6  }
0x82: {  	v6 =	vld [tilespmem:s19+$0x2A0F];
	v8 =	vadd.f32 v10, v7  }
0x83: {  	s21 =	simm.s32 $0x80;
	s20 =	simm.s32 $0x10;
	v7 =	vld [tilespmem:s19+$0x218F];
	v9 =	vadd.f32 v11, v9  }
.LBB2_6:
0x84: {  	p1 =	sne.s32 s21, $0x1C0;
	v10 =	vld [tilespmem:s20+$0x2280];
	v3 =	vadd.f32 v3, v8  }
0x85: {  	v8 =	vld [tilespmem:s20+$0x1A00];
	v4 =	vadd.f32 v4, v9  }
0x86: {  	v9 =	vld [tilespmem:s20+$0x2301];
	v3 =	vadd.f32 v5, v3  }
0x87: {  	v5 =	vld [tilespmem:s20+$0x1A81];
	v4 =	vadd.f32 v6, v4  }
0x88: {  	v6 =	vld [tilespmem:s20+$0x2382];
	v3 =	vadd.f32 v7, v3  }
0x89: {  	v7 =	vadd.f32 $0.0e+00, v10;
	v10 =	vld [tilespmem:s20+$0x1B02];
	[tilespmem:s19+$0x2B80] =	vst v4  }
0x8a: {  	v4 =	vadd.f32 $0.0e+00, v8;
	v8 =	vld [tilespmem:s20+$0x2403];
	[tilespmem:s19+$0x2B00] =	vst v3;
	s19 =	smov.u32 s20  }
0x8b: {  	v3 =	vadd.f32 v9, v7;
	v7 =	vld [tilespmem:s19+$0x1B83]  }
0x8c: {  	v4 =	vadd.f32 v5, v4;
	v5 =	vld [tilespmem:s19+$0x2484]  }
0x8d: {  	v3 =	vadd.f32 v6, v3;
	v6 =	vld [tilespmem:s19+$0x1C04]  }
0x8e: {  	v4 =	vadd.f32 v10, v4;
	v9 =	vld [tilespmem:s19+$0x2505]  }
0x8f: {  	v3 =	vadd.f32 v8, v3;
	v8 =	vld [tilespmem:s19+$0x1C85]  }
0x90: {  	v4 =	vadd.f32 v7, v4;
	v7 =	vld [tilespmem:s19+$0x2586]  }
0x91: {  	v3 =	vadd.f32 v5, v3;
	v5 =	vld [tilespmem:s19+$0x1D06]  }
0x92: {  	v4 =	vadd.f32 v6, v4;
	v6 =	vld [tilespmem:s19+$0x2607]  }
0x93: {  	v3 =	vadd.f32 v9, v3;
	v9 =	vld [tilespmem:s19+$0x1D87]  }
0x94: {  	v4 =	vadd.f32 v8, v4;
	v8 =	vld [tilespmem:s19+$0x2688]  }
0x95: {  	v3 =	vadd.f32 v7, v3;
	v7 =	vld [tilespmem:s19+$0x1E08]  }
0x96: {  	v4 =	vadd.f32 v5, v4;
	v5 =	vld [tilespmem:s19+$0x2709]  }
0x97: {  	v3 =	vadd.f32 v6, v3;
	v6 =	vld [tilespmem:s19+$0x1E89]  }
0x98: {  	v4 =	vadd.f32 v9, v4;
	v9 =	vld [tilespmem:s19+$0x278A]  }
0x99: {  	v3 =	vadd.f32 v8, v3;
	v8 =	vld [tilespmem:s19+$0x1F0A]  }
0x9a: {  	v4 =	vadd.f32 v7, v4;
	v7 =	vld [tilespmem:s19+$0x280B]  }
0x9b: {  	v3 =	vadd.f32 v5, v3;
	v5 =	vld [tilespmem:s19+$0x1F8B]  }
0x9c: {  	v4 =	vadd.f32 v6, v4;
	v6 =	vld [tilespmem:s19+$0x288C]  }
0x9d: {  	v3 =	vadd.f32 v9, v3;
	v9 =	vld [tilespmem:s19+$0x200C]  }
0x9e: {  	v4 =	vadd.f32 v8, v4;
	v10 =	vld [tilespmem:s19+$0x290D]  }
.Ltmp2:
0x9f: {  	v7 =	vadd.f32 v7, v3;
	v3 =	vld [tilespmem:s19+$0x208D];
	(pc) =	sbr.rel @p1 .LBB2_6-.Ltmp2, $4  }
0xa0: {  	v8 =	vadd.f32 v5, v4;
	v4 =	vld [tilespmem:s19+$0x298E]  }
0xa1: {  	v7 =	vadd.f32 v6, v7;
	v5 =	vld [tilespmem:s19+$0x210E]  }
0xa2: {  	v8 =	vadd.f32 v9, v8;
	v6 =	vld [tilespmem:s19+$0x2A0F]  }
0xa3: {  	s20 =	sshra.s32 s21, $0x2;
	s21 =	sadd.s32 $0x40, s21;
	v9 =	vadd.f32 v10, v7;
	v7 =	vld [tilespmem:s19+$0x218F]  }
0xa4: {  	v10 =	vld [tilespmem:s20+$0x2280];
	v3 =	vadd.f32 v3, v8  }
0xa5: {  	v11 =	vld [tilespmem:s20+$0x1A00];
	v4 =	vadd.f32 v4, v9  }
0xa6: {  	v31 =	vld [tilespmem:s20+$0x2301];
	v3 =	vadd.f32 v5, v3  }
0xa7: {  	v32 =	vld [tilespmem:s20+$0x1A81];
	v4 =	vadd.f32 v6, v4  }
0xa8: {  	v33 =	vld [tilespmem:s20+$0x2382];
	v3 =	vadd.f32 v7, v3  }
0xa9: {  	v34 =	vld [tilespmem:s20+$0x1B02];
	[tilespmem:s19+$0x2B80] =	vst v4;
	v35 =	vadd.f32 $0.0e+00, v10  }
0xaa: {  	v37 =	vadd.f32 $0.0e+00, v11;
	v36 =	vld [tilespmem:s20+$0x2403];
	[tilespmem:s19+$0x2B00] =	vst v3  }
0xab: {  	v3 =	vadd.f32 v31, v35;
	v38 =	vld [tilespmem:s20+$0x1B83]  }
0xac: {  	v39 =	vadd.f32 v32, v37;
	v40 =	vld [tilespmem:s20+$0x2484]  }
0xad: {  	v41 =	vld [tilespmem:s20+$0x1C04];
	v3 =	vadd.f32 v33, v3  }
0xae: {  	v42 =	vld [tilespmem:s20+$0x2505];
	v6 =	vadd.f32 v34, v39  }
0xaf: {  	v43 =	vld [tilespmem:s20+$0x1C85];
	v3 =	vadd.f32 v36, v3  }
0xb0: {  	v44 =	vld [tilespmem:s20+$0x2586];
	v4 =	vadd.f32 v38, v6  }
0xb1: {  	v45 =	vld [tilespmem:s20+$0x1D06];
	v3 =	vadd.f32 v40, v3  }
0xb2: {  	v46 =	vld [tilespmem:s20+$0x2607];
	v4 =	vadd.f32 v41, v4  }
0xb3: {  	v47 =	vld [tilespmem:s20+$0x1D87];
	v3 =	vadd.f32 v42, v3  }
0xb4: {  	v48 =	vld [tilespmem:s20+$0x2688];
	v4 =	vadd.f32 v43, v4  }
0xb5: {  	v49 =	vld [tilespmem:s20+$0x1E08];
	v3 =	vadd.f32 v44, v3  }
0xb6: {  	v50 =	vld [tilespmem:s20+$0x2709];
	v4 =	vadd.f32 v45, v4  }
0xb7: {  	v51 =	vld [tilespmem:s20+$0x1E89];
	v3 =	vadd.f32 v46, v3  }
0xb8: {  	v52 =	vld [tilespmem:s20+$0x278A];
	v4 =	vadd.f32 v47, v4  }
0xb9: {  	v53 =	vld [tilespmem:s20+$0x1F0A];
	v3 =	vadd.f32 v48, v3  }
0xba: {  	v54 =	vld [tilespmem:s20+$0x280B];
	v4 =	vadd.f32 v49, v4  }
0xbb: {  	v55 =	vld [tilespmem:s20+$0x1F8B];
	v3 =	vadd.f32 v50, v3  }
0xbc: {  	v56 =	vld [tilespmem:s20+$0x288C];
	v4 =	vadd.f32 v51, v4  }
0xbd: {  	v57 =	vld [tilespmem:s20+$0x200C];
	v3 =	vadd.f32 v52, v3  }
0xbe: {  	v58 =	vld [tilespmem:s20+$0x290D];
	v4 =	vadd.f32 v53, v4  }
0xbf: {  	v59 =	vld [tilespmem:s20+$0x208D];
	v3 =	vadd.f32 v54, v3  }
0xc0: {  	v60 =	vld [tilespmem:s20+$0x298E];
	v4 =	vadd.f32 v55, v4  }
0xc1: {  	v61 =	vld [tilespmem:s20+$0x210E];
	v3 =	vadd.f32 v56, v3  }
0xc2: {  	v62 =	vld [tilespmem:s20+$0x2A0F];
	v4 =	vadd.f32 v57, v4  }
0xc3: {  	v63 =	vld [tilespmem:s20+$0x218F];
	v3 =	vadd.f32 v58, v3  }
0xc4: {  	v4 =	vadd.f32 v59, v4  }
0xc5: {  	v3 =	vadd.f32 v60, v3  }
0xc6: {  	v4 =	vadd.f32 v61, v4  }
0xc7: {  	v3 =	vadd.f32 v62, v3  }
0xc8: {  	v4 =	vadd.f32 v63, v4  }
0xc9: {  	[tilespmem:s20+$0x2B80] =	vst v3  }
0xca: {  	[tilespmem:s20+$0x2B00] =	vst v4  }
0xcb: {  	[hbm4b:s7+s2] =	stream.linear.scatter [tilespmem:s15], [sflag:$0x3], $0x80, $0x38;
	[tilespmem:$0x2C00] =	vst v63  }
0xcc: {  	s18 =	sadd.s32 $0x1, s18;
	_ =	swait.ge [sflag:s16], $0x80  }
0xcd: {  	p1 =	sne.s32 s18, s9;
	[sflag:s16] =	ssyncset.done $0x0  }
.Ltmp3:
0xce: {  	[sflag:s16] =	ssyncadd.s32 $0xFFFFFF80;
	(pc) =	sbr.rel @p1 .LBB2_1-.Ltmp3, $4  }
0xcf: {  	[hbm4b:s8+s2] =	stream.linear.scatter [tilespmem:s17], [sflag:$0x3], $0x80, $0x38;
	[tilespmem:$0x2C00] =	vst v63  }
0xd0: {  	_ =	swait.ge [sflag:s16], $0x80  }
0xd1: {  	[sflag:s16] =	ssyncset.done $0x0  }
0xd2: {  	[sflag:s16] =	ssyncadd.s32 $0xFFFFFF80  }
0xd3: {  	_ =	sfence.sel $0x180000  }
0xd4: {  	[bflag:$0x0] =	sbarrier.arrive $0xFFFF  }
0xd5: {  	p0 =	sne.s32 s1, $0x0;
	_ =	strace $0x90000047  }
0xd6: {  	s0 =	sadd.s32 @!p0 $0x100000, s0;
	[bflag:$0x2] =	sbarrier.arrive $0xFFFF  }
0xd7: {  	[sflag:s0] =	ssyncadd.tile.s32 @!p0 $0x1;
	_ =	shalt  }
.Lfunc_end2:
_tile_overlayer_lowered:
.L_overlay_start_2:
0xd8: {  	(tag) =	ssettag $0x2  }
0xd9: {  	s0 =	rddreg [dreg:$0x0];
	s2 =	stileid.u32  }
0xda: {  	s1 =	rddreg [dreg:$0x1];
	p0 =	sne.s32 s2, $0x0  }
0xdb: {  	s3 =	rddreg [dreg:$0x2];
	[bflag:$0x3] =	sbarrier.arrive $0xFFFF;
	s2 =	simm.s32 @!p0 $0x1C03  }
0xdc: {  	[timem:s3], [sflag:s2] =	dma.local @!p0 [hbm:s0], s1  }
0xdd: {  	s0 =	simm.s32 @!p0 $0x3  }
0xde: {  	_ =	swait.ge @!p0 [sflag:s0], s1  }
0xdf: {  	s1 =	ssub.s32 @!p0 $0x0, s1;
	[sflag:s0] =	ssyncset.done @!p0 $0x0  }
0xe0: {  	[sflag:s0] =	ssyncadd.s32 @!p0 s1  }
0xe1: {  	[bflag:$0x3] =	sbarrier.arrive $0xFFFF  }
0xe2: {  	_ =	shalt  }

</sc_bundles>
